<compile_context>
chip_gen: v7x
topology: tpu7x:2x2x1
jax: 0.10.2.dev20260603
libtpu: 0.0.44.dev20260713+nightly
codegen_flags: <defaults>
</compile_context>

<pallas_src>
import functools

import jax
import jax.numpy as jnp
from jax import lax
from jax.experimental import pallas as pl
from jax.experimental.pallas import tpu as pltpu
from jax.experimental.pallas import tpu_sc as plsc

_NC = 2
_NS = 16
_NW = _NC * _NS
_C = 8
_NBUF = 8
_D = 4


@functools.partial(jax.jit, static_argnames=("b_per_w", "d"))
def _sc_gather(pos_flat, table, *, b_per_w, d):
    nchunks = b_per_w // _C
    assert (nchunks - 2 * _D) % _NBUF == 0 and nchunks >= 2 * _NBUF
    mesh = plsc.VectorSubcoreMesh(core_axis_name="c", subcore_axis_name="s")

    @functools.partial(
        pl.kernel,
        mesh=mesh,
        out_type=jax.ShapeDtypeStruct((b_per_w * _NW, d), jnp.float32),
        scratch_types=[
            pltpu.VMEM((b_per_w,), jnp.int32),
            pltpu.VMEM((_NBUF, _C, d), jnp.float32),
            *[pltpu.SemaphoreType.DMA for _ in range(2 * _NBUF)],
        ],
    )
    def k(pos_hbm, table_hbm, out_hbm, idx_v, bufref, *sems):
        gsems = sems[:_NBUF]
        wsems = sems[_NBUF:]

        sid = lax.axis_index("s")
        wid = sid * _NC + lax.axis_index("c")
        base = wid * b_per_w
        pltpu.sync_copy(pos_hbm.at[pl.ds(base, b_per_w)], idx_v)

        bufs = [bufref.at[b] for b in range(_NBUF)]

        def fire_gather(chunk, b):
            pltpu.async_copy(
                table_hbm.at[idx_v.at[pl.ds(chunk * _C, _C)]], bufs[b], gsems[b]
            )

        def wait_gather(b):
            pltpu.make_async_copy(
                table_hbm.at[pl.ds(0, _C)], bufs[b], gsems[b]
            ).wait()

        def fire_write(chunk, b):
            pltpu.make_async_copy(
                bufs[b], out_hbm.at[pl.ds(base + chunk * _C, _C)], wsems[b]
            ).start()

        def wait_write(b):
            pltpu.make_async_copy(
                bufs[b], out_hbm.at[pl.ds(base, _C)], wsems[b]
            ).wait()

        for g in range(_D):
            fire_gather(g, g % _NBUF)
        for g in range(_D):
            b = g % _NBUF
            wait_gather(b)
            fire_write(g, b)
            fire_gather(g + _D, (g + _D) % _NBUF)

        def body(i, carry):
            g0 = _D + i * _NBUF
            for db in range(_NBUF):
                b = (_D + db) % _NBUF
                chunk = g0 + db
                wait_gather(b)
                fire_write(chunk, b)
                nb = (b + _D) % _NBUF
                wait_write(nb)
                fire_gather(chunk + _D, nb)
            return carry

        lax.fori_loop(0, (nchunks - 2 * _D) // _NBUF, body, 0)

        for g in range(nchunks - _D, nchunks):
            b = g % _NBUF
            wait_gather(b)
            fire_write(g, b)
        for g in range(nchunks - _NBUF, nchunks):
            wait_write(g % _NBUF)

    return k(pos_flat, table)


def kernel(positions, table):
    b = positions.size
    d = table.shape[1]
    pos_flat = positions.reshape(-1).astype(jnp.int32)
    out = _sc_gather(pos_flat, table, b_per_w=b // _NW, d=d)
    return out.reshape(positions.shape + (d,))

# --- scband reference (transcript-rebuilt; emitter-appended) ---
"""Pipeline reference for scband-sinusoids-15882789060633 (READ-ONLY COPY).

The authoritative reference and input builder live on the scoring server;
editing this copy changes nothing except your own understanding.
"""

import jax, jax.numpy as jnp
import numpy as np

LENGTH = 8192
CHANNELS = 1024
MAX_TSCALE = 10000


def make_table():
    log_tscale_increment = np.log(MAX_TSCALE) / (CHANNELS // 2 - 1)
    inv_tscales = jnp.exp(-log_tscale_increment * jnp.arange(CHANNELS // 2, dtype=jnp.float32))
    scaled_t = jnp.arange(LENGTH, dtype=jnp.float32)[:, None] * inv_tscales[None, :]
    pos1 = jnp.sin(scaled_t)
    pos2 = jnp.cos(scaled_t)
    return jnp.concatenate([pos1, pos2], axis=1).astype(jnp.float32)


def setup_inputs(seed: int = 0) -> dict:
    key = jax.random.key(seed)
    positions = jax.random.randint(key, (4, 8192), 0, LENGTH)
    table = make_table()  # trainable embedding table initialized from sinusoids (freeze=False)
    return {"positions": positions, "table": table}


def reference(positions, table):
    # nn.Embedding lookup == row gather from the table
    return jnp.take(table, positions, axis=0)

if __name__ == "__main__":
    import jax
    _d = setup_inputs()
    print(jax.jit(kernel)(*tuple(_d.values())))

</pallas_src>

<mosaic_0001>
#map = affine_map<(d0, d1) -> (0)>
#map1 = affine_map<(d0, d1) -> (0, 0)>
module attributes {stable_mosaic.version = 14 : i64} {
  func.func @k(%arg0: i32, %arg1: i32, %arg2: memref<32768xi32, #tpu.memory_space<hbm>>, %arg3: memref<8192x1024xf32, #tpu.memory_space<hbm>>, %arg4: memref<32768x1024xf32, #tpu.memory_space<hbm>>, %arg5: memref<1024xi32, #tpu.memory_space<vmem>>, %arg6: memref<8x8x1024xf32, #tpu.memory_space<vmem>>, %arg7: memref<!tpu.dma_semaphore, #tpu.memory_space<semaphore_mem>>, %arg8: memref<!tpu.dma_semaphore, #tpu.memory_space<semaphore_mem>>, %arg9: memref<!tpu.dma_semaphore, #tpu.memory_space<semaphore_mem>>, %arg10: memref<!tpu.dma_semaphore, #tpu.memory_space<semaphore_mem>>, %arg11: memref<!tpu.dma_semaphore, #tpu.memory_space<semaphore_mem>>, %arg12: memref<!tpu.dma_semaphore, #tpu.memory_space<semaphore_mem>>, %arg13: memref<!tpu.dma_semaphore, #tpu.memory_space<semaphore_mem>>, %arg14: memref<!tpu.dma_semaphore, #tpu.memory_space<semaphore_mem>>, %arg15: memref<!tpu.dma_semaphore, #tpu.memory_space<semaphore_mem>>, %arg16: memref<!tpu.dma_semaphore, #tpu.memory_space<semaphore_mem>>, %arg17: memref<!tpu.dma_semaphore, #tpu.memory_space<semaphore_mem>>, %arg18: memref<!tpu.dma_semaphore, #tpu.memory_space<semaphore_mem>>, %arg19: memref<!tpu.dma_semaphore, #tpu.memory_space<semaphore_mem>>, %arg20: memref<!tpu.dma_semaphore, #tpu.memory_space<semaphore_mem>>, %arg21: memref<!tpu.dma_semaphore, #tpu.memory_space<semaphore_mem>>, %arg22: memref<!tpu.dma_semaphore, #tpu.memory_space<semaphore_mem>>) attributes {dimension_semantics = [#tpu.dimension_semantics<core_parallel>, #tpu.dimension_semantics<subcore_parallel>], iteration_bounds = array<i64: 2, 16>, scalar_prefetch = 0 : i64, scratch_operands = 18 : i64, tpu.core_type = #tpu.core_type<sc_vector_subcore>, window_params = [{transform_indices = #map}, {transform_indices = #map1}, {transform_indices = #map1}]} {
    %mul3A = arith.constant 2 : i32
    %mul3A_0 = arith.muli %arg1, %mul3A : i32
    %add3A = arith.addi %mul3A_0, %arg0 : i32
    %mul3A_1 = arith.constant 1024 : i32
    %mul3A_2 = arith.muli %add3A, %mul3A_1 : i32
    "tpu.region"() ({
      %run_scoped3A = tpu.sem_alloc : memref<!tpu.dma_semaphore, #tpu.memory_space<semaphore_mem>>
      %dma_start3A_438 = tpu.memref_slice %arg2[%mul3A_2] : memref<32768xi32, #tpu.memory_space<hbm>> -> memref<1024xi32, #tpu.memory_space<hbm>>
      %dma_start3A_439 = tpu.memref_slice %arg2[%mul3A_2] : memref<32768xi32, #tpu.memory_space<hbm>> -> memref<1024xi32, #tpu.memory_space<hbm>>
      tpu.enqueue_dma source(%dma_start3A_439 : memref<1024xi32, #tpu.memory_space<hbm>>) target(%arg5 : memref<1024xi32, #tpu.memory_space<vmem>>) target_semaphore(%run_scoped3A : memref<!tpu.dma_semaphore, #tpu.memory_space<semaphore_mem>>)
      %dma_wait3A_440 = tpu.memref_slice %arg2[%mul3A_2] : memref<32768xi32, #tpu.memory_space<hbm>> -> memref<1024xi32, #tpu.memory_space<hbm>>
      %dma_wait3A_441 = tpu.memref_slice %arg2[%mul3A_2] : memref<32768xi32, #tpu.memory_space<hbm>> -> memref<1024xi32, #tpu.memory_space<hbm>>
      tpu.wait_dma2 semaphore(%run_scoped3A : memref<!tpu.dma_semaphore, #tpu.memory_space<semaphore_mem>>) src(%dma_wait3A_441 : memref<1024xi32, #tpu.memory_space<hbm>>) dst(%arg5 : memref<1024xi32, #tpu.memory_space<vmem>>)
      tpu.yield
    }) : () -> ()
    %dma_start3A = arith.constant 0 : i32
    %dma_start3A_3 = arith.constant 0 : i32
    %dma_start3A_4 = arith.constant 0 : i32
    %dma_start3A_5 = tpu.memref_slice %arg6[%dma_start3A, %dma_start3A_3, %dma_start3A_4] : memref<8x8x1024xf32, #tpu.memory_space<vmem>> -> memref<1x8x1024xf32, #tpu.memory_space<vmem>>
    %dma_start3A_6 = tpu.memref_squeeze %dma_start3A_5 : memref<1x8x1024xf32, #tpu.memory_space<vmem>> -> memref<8x1024xf32, #tpu.memory_space<vmem>>
    %dma_start3A_7 = arith.constant 0 : i32
    %dma_start3A_8 = tpu.memref_slice %arg5[%dma_start3A_7] : memref<1024xi32, #tpu.memory_space<vmem>> -> memref<8xi32, #tpu.memory_space<vmem>>
    %dma_start3A_9 = arith.constant 0 : i32
    %dma_start3A_10 = arith.constant 0 : i32
    %dma_start3A_11 = tpu.memref_slice %arg3[%dma_start3A_9, %dma_start3A_10] : memref<8192x1024xf32, #tpu.memory_space<hbm>> -> memref<8192x1024xf32, #tpu.memory_space<hbm>>
    tpu.enqueue_indirect_dma source(%dma_start3A_11 : memref<8192x1024xf32, #tpu.memory_space<hbm>>) target(%dma_start3A_6 : memref<8x1024xf32, #tpu.memory_space<vmem>>) offsets(%dma_start3A_8 : memref<8xi32, #tpu.memory_space<vmem>>) semaphore(%arg7 : memref<!tpu.dma_semaphore, #tpu.memory_space<semaphore_mem>>)
    %dma_start3A_12 = arith.constant 1 : i32
    %dma_start3A_13 = arith.constant 0 : i32
    %dma_start3A_14 = arith.constant 0 : i32
    %dma_start3A_15 = tpu.memref_slice %arg6[%dma_start3A_12, %dma_start3A_13, %dma_start3A_14] : memref<8x8x1024xf32, #tpu.memory_space<vmem>> -> memref<1x8x1024xf32, #tpu.memory_space<vmem>>
    %dma_start3A_16 = tpu.memref_squeeze %dma_start3A_15 : memref<1x8x1024xf32, #tpu.memory_space<vmem>> -> memref<8x1024xf32, #tpu.memory_space<vmem>>
    %dma_start3A_17 = arith.constant 8 : i32
    %dma_start3A_18 = tpu.memref_slice %arg5[%dma_start3A_17] : memref<1024xi32, #tpu.memory_space<vmem>> -> memref<8xi32, #tpu.memory_space<vmem>>
    %dma_start3A_19 = arith.constant 0 : i32
    %dma_start3A_20 = arith.constant 0 : i32
    %dma_start3A_21 = tpu.memref_slice %arg3[%dma_start3A_19, %dma_start3A_20] : memref<8192x1024xf32, #tpu.memory_space<hbm>> -> memref<8192x1024xf32, #tpu.memory_space<hbm>>
    tpu.enqueue_indirect_dma source(%dma_start3A_21 : memref<8192x1024xf32, #tpu.memory_space<hbm>>) target(%dma_start3A_16 : memref<8x1024xf32, #tpu.memory_space<vmem>>) offsets(%dma_start3A_18 : memref<8xi32, #tpu.memory_space<vmem>>) semaphore(%arg8 : memref<!tpu.dma_semaphore, #tpu.memory_space<semaphore_mem>>)
    %dma_start3A_22 = arith.constant 2 : i32
    %dma_start3A_23 = arith.constant 0 : i32
    %dma_start3A_24 = arith.constant 0 : i32
    %dma_start3A_25 = tpu.memref_slice %arg6[%dma_start3A_22, %dma_start3A_23, %dma_start3A_24] : memref<8x8x1024xf32, #tpu.memory_space<vmem>> -> memref<1x8x1024xf32, #tpu.memory_space<vmem>>
    %dma_start3A_26 = tpu.memref_squeeze %dma_start3A_25 : memref<1x8x1024xf32, #tpu.memory_space<vmem>> -> memref<8x1024xf32, #tpu.memory_space<vmem>>
    %dma_start3A_27 = arith.constant 16 : i32
    %dma_start3A_28 = tpu.memref_slice %arg5[%dma_start3A_27] : memref<1024xi32, #tpu.memory_space<vmem>> -> memref<8xi32, #tpu.memory_space<vmem>>
    %dma_start3A_29 = arith.constant 0 : i32
    %dma_start3A_30 = arith.constant 0 : i32
    %dma_start3A_31 = tpu.memref_slice %arg3[%dma_start3A_29, %dma_start3A_30] : memref<8192x1024xf32, #tpu.memory_space<hbm>> -> memref<8192x1024xf32, #tpu.memory_space<hbm>>
    tpu.enqueue_indirect_dma source(%dma_start3A_31 : memref<8192x1024xf32, #tpu.memory_space<hbm>>) target(%dma_start3A_26 : memref<8x1024xf32, #tpu.memory_space<vmem>>) offsets(%dma_start3A_28 : memref<8xi32, #tpu.memory_space<vmem>>) semaphore(%arg9 : memref<!tpu.dma_semaphore, #tpu.memory_space<semaphore_mem>>)
    %dma_start3A_32 = arith.constant 3 : i32
    %dma_start3A_33 = arith.constant 0 : i32
    %dma_start3A_34 = arith.constant 0 : i32
    %dma_start3A_35 = tpu.memref_slice %arg6[%dma_start3A_32, %dma_start3A_33, %dma_start3A_34] : memref<8x8x1024xf32, #tpu.memory_space<vmem>> -> memref<1x8x1024xf32, #tpu.memory_space<vmem>>
    %dma_start3A_36 = tpu.memref_squeeze %dma_start3A_35 : memref<1x8x1024xf32, #tpu.memory_space<vmem>> -> memref<8x1024xf32, #tpu.memory_space<vmem>>
    %dma_start3A_37 = arith.constant 24 : i32
    %dma_start3A_38 = tpu.memref_slice %arg5[%dma_start3A_37] : memref<1024xi32, #tpu.memory_space<vmem>> -> memref<8xi32, #tpu.memory_space<vmem>>
    %dma_start3A_39 = arith.constant 0 : i32
    %dma_start3A_40 = arith.constant 0 : i32
    %dma_start3A_41 = tpu.memref_slice %arg3[%dma_start3A_39, %dma_start3A_40] : memref<8192x1024xf32, #tpu.memory_space<hbm>> -> memref<8192x1024xf32, #tpu.memory_space<hbm>>
    tpu.enqueue_indirect_dma source(%dma_start3A_41 : memref<8192x1024xf32, #tpu.memory_space<hbm>>) target(%dma_start3A_36 : memref<8x1024xf32, #tpu.memory_space<vmem>>) offsets(%dma_start3A_38 : memref<8xi32, #tpu.memory_space<vmem>>) semaphore(%arg10 : memref<!tpu.dma_semaphore, #tpu.memory_space<semaphore_mem>>)
    %dma_wait3A = arith.constant 0 : i32
    %dma_wait3A_42 = arith.constant 0 : i32
    %dma_wait3A_43 = arith.constant 0 : i32
    %dma_wait3A_44 = tpu.memref_slice %arg6[%dma_wait3A, %dma_wait3A_42, %dma_wait3A_43] : memref<8x8x1024xf32, #tpu.memory_space<vmem>> -> memref<1x8x1024xf32, #tpu.memory_space<vmem>>
    %dma_wait3A_45 = tpu.memref_squeeze %dma_wait3A_44 : memref<1x8x1024xf32, #tpu.memory_space<vmem>> -> memref<8x1024xf32, #tpu.memory_space<vmem>>
    %dma_wait3A_46 = arith.constant 0 : i32
    %dma_wait3A_47 = arith.constant 0 : i32
    %dma_wait3A_48 = tpu.memref_slice %arg3[%dma_wait3A_46, %dma_wait3A_47] : memref<8192x1024xf32, #tpu.memory_space<hbm>> -> memref<8x1024xf32, #tpu.memory_space<hbm>>
    %dma_wait3A_49 = arith.constant 0 : i32
    %dma_wait3A_50 = arith.constant 0 : i32
    %dma_wait3A_51 = tpu.memref_slice %arg6[%dma_wait3A, %dma_wait3A_49, %dma_wait3A_50] : memref<8x8x1024xf32, #tpu.memory_space<vmem>> -> memref<1x8x1024xf32, #tpu.memory_space<vmem>>
    %dma_wait3A_52 = tpu.memref_squeeze %dma_wait3A_51 : memref<1x8x1024xf32, #tpu.memory_space<vmem>> -> memref<8x1024xf32, #tpu.memory_space<vmem>>
    %dma_wait3A_53 = arith.constant 0 : i32
    %dma_wait3A_54 = arith.constant 0 : i32
    %dma_wait3A_55 = tpu.memref_slice %arg3[%dma_wait3A_53, %dma_wait3A_54] : memref<8192x1024xf32, #tpu.memory_space<hbm>> -> memref<8x1024xf32, #tpu.memory_space<hbm>>
    tpu.wait_dma2 semaphore(%arg7 : memref<!tpu.dma_semaphore, #tpu.memory_space<semaphore_mem>>) src(%dma_wait3A_55 : memref<8x1024xf32, #tpu.memory_space<hbm>>) dst(%dma_wait3A_52 : memref<8x1024xf32, #tpu.memory_space<vmem>>)
    %add3A_56 = arith.constant 0 : i32
    %add3A_57 = arith.addi %mul3A_2, %add3A_56 : i32
    %dma_start3A_58 = arith.constant 0 : i32
    %dma_start3A_59 = arith.constant 0 : i32
    %dma_start3A_60 = arith.constant 0 : i32
    %dma_start3A_61 = tpu.memref_slice %arg6[%dma_start3A_58, %dma_start3A_59, %dma_start3A_60] : memref<8x8x1024xf32, #tpu.memory_space<vmem>> -> memref<1x8x1024xf32, #tpu.memory_space<vmem>>
    %dma_start3A_62 = tpu.memref_squeeze %dma_start3A_61 : memref<1x8x1024xf32, #tpu.memory_space<vmem>> -> memref<8x1024xf32, #tpu.memory_space<vmem>>
    %dma_start3A_63 = arith.constant 0 : i32
    %dma_start3A_64 = tpu.memref_slice %arg4[%add3A_57, %dma_start3A_63] : memref<32768x1024xf32, #tpu.memory_space<hbm>> -> memref<8x1024xf32, #tpu.memory_space<hbm>>
    %dma_start3A_65 = arith.constant 0 : i32
    %dma_start3A_66 = tpu.memref_slice %arg4[%add3A_57, %dma_start3A_65] : memref<32768x1024xf32, #tpu.memory_space<hbm>> -> memref<8x1024xf32, #tpu.memory_space<hbm>>
    %dma_start3A_67 = arith.constant 0 : i32
    %dma_start3A_68 = arith.constant 0 : i32
    %dma_start3A_69 = tpu.memref_slice %arg6[%dma_start3A_58, %dma_start3A_67, %dma_start3A_68] : memref<8x8x1024xf32, #tpu.memory_space<vmem>> -> memref<1x8x1024xf32, #tpu.memory_space<vmem>>
    %dma_start3A_70 = tpu.memref_squeeze %dma_start3A_69 : memref<1x8x1024xf32, #tpu.memory_space<vmem>> -> memref<8x1024xf32, #tpu.memory_space<vmem>>
    tpu.enqueue_dma source(%dma_start3A_70 : memref<8x1024xf32, #tpu.memory_space<vmem>>) target(%dma_start3A_66 : memref<8x1024xf32, #tpu.memory_space<hbm>>) target_semaphore(%arg15 : memref<!tpu.dma_semaphore, #tpu.memory_space<semaphore_mem>>)
    %dma_start3A_71 = arith.constant 4 : i32
    %dma_start3A_72 = arith.constant 0 : i32
    %dma_start3A_73 = arith.constant 0 : i32
    %dma_start3A_74 = tpu.memref_slice %arg6[%dma_start3A_71, %dma_start3A_72, %dma_start3A_73] : memref<8x8x1024xf32, #tpu.memory_space<vmem>> -> memref<1x8x1024xf32, #tpu.memory_space<vmem>>
    %dma_start3A_75 = tpu.memref_squeeze %dma_start3A_74 : memref<1x8x1024xf32, #tpu.memory_space<vmem>> -> memref<8x1024xf32, #tpu.memory_space<vmem>>
    %dma_start3A_76 = arith.constant 32 : i32
    %dma_start3A_77 = tpu.memref_slice %arg5[%dma_start3A_76] : memref<1024xi32, #tpu.memory_space<vmem>> -> memref<8xi32, #tpu.memory_space<vmem>>
    %dma_start3A_78 = arith.constant 0 : i32
    %dma_start3A_79 = arith.constant 0 : i32
    %dma_start3A_80 = tpu.memref_slice %arg3[%dma_start3A_78, %dma_start3A_79] : memref<8192x1024xf32, #tpu.memory_space<hbm>> -> memref<8192x1024xf32, #tpu.memory_space<hbm>>
    tpu.enqueue_indirect_dma source(%dma_start3A_80 : memref<8192x1024xf32, #tpu.memory_space<hbm>>) target(%dma_start3A_75 : memref<8x1024xf32, #tpu.memory_space<vmem>>) offsets(%dma_start3A_77 : memref<8xi32, #tpu.memory_space<vmem>>) semaphore(%arg11 : memref<!tpu.dma_semaphore, #tpu.memory_space<semaphore_mem>>)
    %dma_wait3A_81 = arith.constant 1 : i32
    %dma_wait3A_82 = arith.constant 0 : i32
    %dma_wait3A_83 = arith.constant 0 : i32
    %dma_wait3A_84 = tpu.memref_slice %arg6[%dma_wait3A_81, %dma_wait3A_82, %dma_wait3A_83] : memref<8x8x1024xf32, #tpu.memory_space<vmem>> -> memref<1x8x1024xf32, #tpu.memory_space<vmem>>
    %dma_wait3A_85 = tpu.memref_squeeze %dma_wait3A_84 : memref<1x8x1024xf32, #tpu.memory_space<vmem>> -> memref<8x1024xf32, #tpu.memory_space<vmem>>
    %dma_wait3A_86 = arith.constant 0 : i32
    %dma_wait3A_87 = arith.constant 0 : i32
    %dma_wait3A_88 = tpu.memref_slice %arg3[%dma_wait3A_86, %dma_wait3A_87] : memref<8192x1024xf32, #tpu.memory_space<hbm>> -> memref<8x1024xf32, #tpu.memory_space<hbm>>
    %dma_wait3A_89 = arith.constant 0 : i32
    %dma_wait3A_90 = arith.constant 0 : i32
    %dma_wait3A_91 = tpu.memref_slice %arg6[%dma_wait3A_81, %dma_wait3A_89, %dma_wait3A_90] : memref<8x8x1024xf32, #tpu.memory_space<vmem>> -> memref<1x8x1024xf32, #tpu.memory_space<vmem>>
    %dma_wait3A_92 = tpu.memref_squeeze %dma_wait3A_91 : memref<1x8x1024xf32, #tpu.memory_space<vmem>> -> memref<8x1024xf32, #tpu.memory_space<vmem>>
    %dma_wait3A_93 = arith.constant 0 : i32
    %dma_wait3A_94 = arith.constant 0 : i32
    %dma_wait3A_95 = tpu.memref_slice %arg3[%dma_wait3A_93, %dma_wait3A_94] : memref<8192x1024xf32, #tpu.memory_space<hbm>> -> memref<8x1024xf32, #tpu.memory_space<hbm>>
    tpu.wait_dma2 semaphore(%arg8 : memref<!tpu.dma_semaphore, #tpu.memory_space<semaphore_mem>>) src(%dma_wait3A_95 : memref<8x1024xf32, #tpu.memory_space<hbm>>) dst(%dma_wait3A_92 : memref<8x1024xf32, #tpu.memory_space<vmem>>)
    %add3A_96 = arith.constant 8 : i32
    %add3A_97 = arith.addi %mul3A_2, %add3A_96 : i32
    %dma_start3A_98 = arith.constant 1 : i32
    %dma_start3A_99 = arith.constant 0 : i32
    %dma_start3A_100 = arith.constant 0 : i32
    %dma_start3A_101 = tpu.memref_slice %arg6[%dma_start3A_98, %dma_start3A_99, %dma_start3A_100] : memref<8x8x1024xf32, #tpu.memory_space<vmem>> -> memref<1x8x1024xf32, #tpu.memory_space<vmem>>
    %dma_start3A_102 = tpu.memref_squeeze %dma_start3A_101 : memref<1x8x1024xf32, #tpu.memory_space<vmem>> -> memref<8x1024xf32, #tpu.memory_space<vmem>>
    %dma_start3A_103 = arith.constant 0 : i32
    %dma_start3A_104 = tpu.memref_slice %arg4[%add3A_97, %dma_start3A_103] : memref<32768x1024xf32, #tpu.memory_space<hbm>> -> memref<8x1024xf32, #tpu.memory_space<hbm>>
    %dma_start3A_105 = arith.constant 0 : i32
    %dma_start3A_106 = tpu.memref_slice %arg4[%add3A_97, %dma_start3A_105] : memref<32768x1024xf32, #tpu.memory_space<hbm>> -> memref<8x1024xf32, #tpu.memory_space<hbm>>
    %dma_start3A_107 = arith.constant 0 : i32
    %dma_start3A_108 = arith.constant 0 : i32
    %dma_start3A_109 = tpu.memref_slice %arg6[%dma_start3A_98, %dma_start3A_107, %dma_start3A_108] : memref<8x8x1024xf32, #tpu.memory_space<vmem>> -> memref<1x8x1024xf32, #tpu.memory_space<vmem>>
    %dma_start3A_110 = tpu.memref_squeeze %dma_start3A_109 : memref<1x8x1024xf32, #tpu.memory_space<vmem>> -> memref<8x1024xf32, #tpu.memory_space<vmem>>
    tpu.enqueue_dma source(%dma_start3A_110 : memref<8x1024xf32, #tpu.memory_space<vmem>>) target(%dma_start3A_106 : memref<8x1024xf32, #tpu.memory_space<hbm>>) target_semaphore(%arg16 : memref<!tpu.dma_semaphore, #tpu.memory_space<semaphore_mem>>)
    %dma_start3A_111 = arith.constant 5 : i32
    %dma_start3A_112 = arith.constant 0 : i32
    %dma_start3A_113 = arith.constant 0 : i32
    %dma_start3A_114 = tpu.memref_slice %arg6[%dma_start3A_111, %dma_start3A_112, %dma_start3A_113] : memref<8x8x1024xf32, #tpu.memory_space<vmem>> -> memref<1x8x1024xf32, #tpu.memory_space<vmem>>
    %dma_start3A_115 = tpu.memref_squeeze %dma_start3A_114 : memref<1x8x1024xf32, #tpu.memory_space<vmem>> -> memref<8x1024xf32, #tpu.memory_space<vmem>>
    %dma_start3A_116 = arith.constant 40 : i32
    %dma_start3A_117 = tpu.memref_slice %arg5[%dma_start3A_116] : memref<1024xi32, #tpu.memory_space<vmem>> -> memref<8xi32, #tpu.memory_space<vmem>>
    %dma_start3A_118 = arith.constant 0 : i32
    %dma_start3A_119 = arith.constant 0 : i32
    %dma_start3A_120 = tpu.memref_slice %arg3[%dma_start3A_118, %dma_start3A_119] : memref<8192x1024xf32, #tpu.memory_space<hbm>> -> memref<8192x1024xf32, #tpu.memory_space<hbm>>
    tpu.enqueue_indirect_dma source(%dma_start3A_120 : memref<8192x1024xf32, #tpu.memory_space<hbm>>) target(%dma_start3A_115 : memref<8x1024xf32, #tpu.memory_space<vmem>>) offsets(%dma_start3A_117 : memref<8xi32, #tpu.memory_space<vmem>>) semaphore(%arg12 : memref<!tpu.dma_semaphore, #tpu.memory_space<semaphore_mem>>)
    %dma_wait3A_121 = arith.constant 2 : i32
    %dma_wait3A_122 = arith.constant 0 : i32
    %dma_wait3A_123 = arith.constant 0 : i32
    %dma_wait3A_124 = tpu.memref_slice %arg6[%dma_wait3A_121, %dma_wait3A_122, %dma_wait3A_123] : memref<8x8x1024xf32, #tpu.memory_space<vmem>> -> memref<1x8x1024xf32, #tpu.memory_space<vmem>>
    %dma_wait3A_125 = tpu.memref_squeeze %dma_wait3A_124 : memref<1x8x1024xf32, #tpu.memory_space<vmem>> -> memref<8x1024xf32, #tpu.memory_space<vmem>>
    %dma_wait3A_126 = arith.constant 0 : i32
    %dma_wait3A_127 = arith.constant 0 : i32
    %dma_wait3A_128 = tpu.memref_slice %arg3[%dma_wait3A_126, %dma_wait3A_127] : memref<8192x1024xf32, #tpu.memory_space<hbm>> -> memref<8x1024xf32, #tpu.memory_space<hbm>>
    %dma_wait3A_129 = arith.constant 0 : i32
    %dma_wait3A_130 = arith.constant 0 : i32
    %dma_wait3A_131 = tpu.memref_slice %arg6[%dma_wait3A_121, %dma_wait3A_129, %dma_wait3A_130] : memref<8x8x1024xf32, #tpu.memory_space<vmem>> -> memref<1x8x1024xf32, #tpu.memory_space<vmem>>
    %dma_wait3A_132 = tpu.memref_squeeze %dma_wait3A_131 : memref<1x8x1024xf32, #tpu.memory_space<vmem>> -> memref<8x1024xf32, #tpu.memory_space<vmem>>
    %dma_wait3A_133 = arith.constant 0 : i32
    %dma_wait3A_134 = arith.constant 0 : i32
    %dma_wait3A_135 = tpu.memref_slice %arg3[%dma_wait3A_133, %dma_wait3A_134] : memref<8192x1024xf32, #tpu.memory_space<hbm>> -> memref<8x1024xf32, #tpu.memory_space<hbm>>
    tpu.wait_dma2 semaphore(%arg9 : memref<!tpu.dma_semaphore, #tpu.memory_space<semaphore_mem>>) src(%dma_wait3A_135 : memref<8x1024xf32, #tpu.memory_space<hbm>>) dst(%dma_wait3A_132 : memref<8x1024xf32, #tpu.memory_space<vmem>>)
    %add3A_136 = arith.constant 16 : i32
    %add3A_137 = arith.addi %mul3A_2, %add3A_136 : i32
    %dma_start3A_138 = arith.constant 2 : i32
    %dma_start3A_139 = arith.constant 0 : i32
    %dma_start3A_140 = arith.constant 0 : i32
    %dma_start3A_141 = tpu.memref_slice %arg6[%dma_start3A_138, %dma_start3A_139, %dma_start3A_140] : memref<8x8x1024xf32, #tpu.memory_space<vmem>> -> memref<1x8x1024xf32, #tpu.memory_space<vmem>>
    %dma_start3A_142 = tpu.memref_squeeze %dma_start3A_141 : memref<1x8x1024xf32, #tpu.memory_space<vmem>> -> memref<8x1024xf32, #tpu.memory_space<vmem>>
    %dma_start3A_143 = arith.constant 0 : i32
    %dma_start3A_144 = tpu.memref_slice %arg4[%add3A_137, %dma_start3A_143] : memref<32768x1024xf32, #tpu.memory_space<hbm>> -> memref<8x1024xf32, #tpu.memory_space<hbm>>
    %dma_start3A_145 = arith.constant 0 : i32
    %dma_start3A_146 = tpu.memref_slice %arg4[%add3A_137, %dma_start3A_145] : memref<32768x1024xf32, #tpu.memory_space<hbm>> -> memref<8x1024xf32, #tpu.memory_space<hbm>>
    %dma_start3A_147 = arith.constant 0 : i32
    %dma_start3A_148 = arith.constant 0 : i32
    %dma_start3A_149 = tpu.memref_slice %arg6[%dma_start3A_138, %dma_start3A_147, %dma_start3A_148] : memref<8x8x1024xf32, #tpu.memory_space<vmem>> -> memref<1x8x1024xf32, #tpu.memory_space<vmem>>
    %dma_start3A_150 = tpu.memref_squeeze %dma_start3A_149 : memref<1x8x1024xf32, #tpu.memory_space<vmem>> -> memref<8x1024xf32, #tpu.memory_space<vmem>>
    tpu.enqueue_dma source(%dma_start3A_150 : memref<8x1024xf32, #tpu.memory_space<vmem>>) target(%dma_start3A_146 : memref<8x1024xf32, #tpu.memory_space<hbm>>) target_semaphore(%arg17 : memref<!tpu.dma_semaphore, #tpu.memory_space<semaphore_mem>>)
    %dma_start3A_151 = arith.constant 6 : i32
    %dma_start3A_152 = arith.constant 0 : i32
    %dma_start3A_153 = arith.constant 0 : i32
    %dma_start3A_154 = tpu.memref_slice %arg6[%dma_start3A_151, %dma_start3A_152, %dma_start3A_153] : memref<8x8x1024xf32, #tpu.memory_space<vmem>> -> memref<1x8x1024xf32, #tpu.memory_space<vmem>>
    %dma_start3A_155 = tpu.memref_squeeze %dma_start3A_154 : memref<1x8x1024xf32, #tpu.memory_space<vmem>> -> memref<8x1024xf32, #tpu.memory_space<vmem>>
    %dma_start3A_156 = arith.constant 48 : i32
    %dma_start3A_157 = tpu.memref_slice %arg5[%dma_start3A_156] : memref<1024xi32, #tpu.memory_space<vmem>> -> memref<8xi32, #tpu.memory_space<vmem>>
    %dma_start3A_158 = arith.constant 0 : i32
    %dma_start3A_159 = arith.constant 0 : i32
    %dma_start3A_160 = tpu.memref_slice %arg3[%dma_start3A_158, %dma_start3A_159] : memref<8192x1024xf32, #tpu.memory_space<hbm>> -> memref<8192x1024xf32, #tpu.memory_space<hbm>>
    tpu.enqueue_indirect_dma source(%dma_start3A_160 : memref<8192x1024xf32, #tpu.memory_space<hbm>>) target(%dma_start3A_155 : memref<8x1024xf32, #tpu.memory_space<vmem>>) offsets(%dma_start3A_157 : memref<8xi32, #tpu.memory_space<vmem>>) semaphore(%arg13 : memref<!tpu.dma_semaphore, #tpu.memory_space<semaphore_mem>>)
    %dma_wait3A_161 = arith.constant 3 : i32
    %dma_wait3A_162 = arith.constant 0 : i32
    %dma_wait3A_163 = arith.constant 0 : i32
    %dma_wait3A_164 = tpu.memref_slice %arg6[%dma_wait3A_161, %dma_wait3A_162, %dma_wait3A_163] : memref<8x8x1024xf32, #tpu.memory_space<vmem>> -> memref<1x8x1024xf32, #tpu.memory_space<vmem>>
    %dma_wait3A_165 = tpu.memref_squeeze %dma_wait3A_164 : memref<1x8x1024xf32, #tpu.memory_space<vmem>> -> memref<8x1024xf32, #tpu.memory_space<vmem>>
    %dma_wait3A_166 = arith.constant 0 : i32
    %dma_wait3A_167 = arith.constant 0 : i32
    %dma_wait3A_168 = tpu.memref_slice %arg3[%dma_wait3A_166, %dma_wait3A_167] : memref<8192x1024xf32, #tpu.memory_space<hbm>> -> memref<8x1024xf32, #tpu.memory_space<hbm>>
    %dma_wait3A_169 = arith.constant 0 : i32
    %dma_wait3A_170 = arith.constant 0 : i32
    %dma_wait3A_171 = tpu.memref_slice %arg6[%dma_wait3A_161, %dma_wait3A_169, %dma_wait3A_170] : memref<8x8x1024xf32, #tpu.memory_space<vmem>> -> memref<1x8x1024xf32, #tpu.memory_space<vmem>>
    %dma_wait3A_172 = tpu.memref_squeeze %dma_wait3A_171 : memref<1x8x1024xf32, #tpu.memory_space<vmem>> -> memref<8x1024xf32, #tpu.memory_space<vmem>>
    %dma_wait3A_173 = arith.constant 0 : i32
    %dma_wait3A_174 = arith.constant 0 : i32
    %dma_wait3A_175 = tpu.memref_slice %arg3[%dma_wait3A_173, %dma_wait3A_174] : memref<8192x1024xf32, #tpu.memory_space<hbm>> -> memref<8x1024xf32, #tpu.memory_space<hbm>>
    tpu.wait_dma2 semaphore(%arg10 : memref<!tpu.dma_semaphore, #tpu.memory_space<semaphore_mem>>) src(%dma_wait3A_175 : memref<8x1024xf32, #tpu.memory_space<hbm>>) dst(%dma_wait3A_172 : memref<8x1024xf32, #tpu.memory_space<vmem>>)
    %add3A_176 = arith.constant 24 : i32
    %add3A_177 = arith.addi %mul3A_2, %add3A_176 : i32
    %dma_start3A_178 = arith.constant 3 : i32
    %dma_start3A_179 = arith.constant 0 : i32
    %dma_start3A_180 = arith.constant 0 : i32
    %dma_start3A_181 = tpu.memref_slice %arg6[%dma_start3A_178, %dma_start3A_179, %dma_start3A_180] : memref<8x8x1024xf32, #tpu.memory_space<vmem>> -> memref<1x8x1024xf32, #tpu.memory_space<vmem>>
    %dma_start3A_182 = tpu.memref_squeeze %dma_start3A_181 : memref<1x8x1024xf32, #tpu.memory_space<vmem>> -> memref<8x1024xf32, #tpu.memory_space<vmem>>
    %dma_start3A_183 = arith.constant 0 : i32
    %dma_start3A_184 = tpu.memref_slice %arg4[%add3A_177, %dma_start3A_183] : memref<32768x1024xf32, #tpu.memory_space<hbm>> -> memref<8x1024xf32, #tpu.memory_space<hbm>>
    %dma_start3A_185 = arith.constant 0 : i32
    %dma_start3A_186 = tpu.memref_slice %arg4[%add3A_177, %dma_start3A_185] : memref<32768x1024xf32, #tpu.memory_space<hbm>> -> memref<8x1024xf32, #tpu.memory_space<hbm>>
    %dma_start3A_187 = arith.constant 0 : i32
    %dma_start3A_188 = arith.constant 0 : i32
    %dma_start3A_189 = tpu.memref_slice %arg6[%dma_start3A_178, %dma_start3A_187, %dma_start3A_188] : memref<8x8x1024xf32, #tpu.memory_space<vmem>> -> memref<1x8x1024xf32, #tpu.memory_space<vmem>>
    %dma_start3A_190 = tpu.memref_squeeze %dma_start3A_189 : memref<1x8x1024xf32, #tpu.memory_space<vmem>> -> memref<8x1024xf32, #tpu.memory_space<vmem>>
    tpu.enqueue_dma source(%dma_start3A_190 : memref<8x1024xf32, #tpu.memory_space<vmem>>) target(%dma_start3A_186 : memref<8x1024xf32, #tpu.memory_space<hbm>>) target_semaphore(%arg18 : memref<!tpu.dma_semaphore, #tpu.memory_space<semaphore_mem>>)
    %dma_start3A_191 = arith.constant 7 : i32
    %dma_start3A_192 = arith.constant 0 : i32
    %dma_start3A_193 = arith.constant 0 : i32
    %dma_start3A_194 = tpu.memref_slice %arg6[%dma_start3A_191, %dma_start3A_192, %dma_start3A_193] : memref<8x8x1024xf32, #tpu.memory_space<vmem>> -> memref<1x8x1024xf32, #tpu.memory_space<vmem>>
    %dma_start3A_195 = tpu.memref_squeeze %dma_start3A_194 : memref<1x8x1024xf32, #tpu.memory_space<vmem>> -> memref<8x1024xf32, #tpu.memory_space<vmem>>
    %dma_start3A_196 = arith.constant 56 : i32
    %dma_start3A_197 = tpu.memref_slice %arg5[%dma_start3A_196] : memref<1024xi32, #tpu.memory_space<vmem>> -> memref<8xi32, #tpu.memory_space<vmem>>
    %dma_start3A_198 = arith.constant 0 : i32
    %dma_start3A_199 = arith.constant 0 : i32
    %dma_start3A_200 = tpu.memref_slice %arg3[%dma_start3A_198, %dma_start3A_199] : memref<8192x1024xf32, #tpu.memory_space<hbm>> -> memref<8192x1024xf32, #tpu.memory_space<hbm>>
    tpu.enqueue_indirect_dma source(%dma_start3A_200 : memref<8192x1024xf32, #tpu.memory_space<hbm>>) target(%dma_start3A_195 : memref<8x1024xf32, #tpu.memory_space<vmem>>) offsets(%dma_start3A_197 : memref<8xi32, #tpu.memory_space<vmem>>) semaphore(%arg14 : memref<!tpu.dma_semaphore, #tpu.memory_space<semaphore_mem>>)
    %scan3A = arith.constant 0 : i32
    %scan3A_201 = arith.constant 4 : i32
    %scan3A_202 = arith.constant 0 : i32
    %scan3A_203 = arith.constant 5 : i32
    %scan3A_204 = arith.constant 1 : i32
    %scan3A_205 = arith.constant 6 : i32
    %scan3A_206 = arith.constant 2 : i32
    %scan3A_207 = arith.constant 7 : i32
    %scan3A_208 = arith.constant 3 : i32
    %scan3A_209 = arith.constant 0 : i32
    %scan3A_210 = arith.constant 15 : i32
    %scan3A_211 = arith.addi %scan3A_209, %scan3A_210 : i32
    %scan3A_212 = arith.constant 1 : i32
    scf.for %scan3A_438 = %scan3A_209 to %scan3A_211 step %scan3A_212  : i32 {
      %mul3A_439 = arith.constant 8 : i32
      %mul3A_440 = arith.muli %scan3A_438, %mul3A_439 : i32
      %add3A_441 = arith.constant 4 : i32
      %add3A_442 = arith.addi %add3A_441, %mul3A_440 : i32
      %add3A_443 = arith.constant 0 : i32
      %add3A_444 = arith.addi %add3A_442, %add3A_443 : i32
      %dma_wait3A_445 = arith.constant 0 : i32
      %dma_wait3A_446 = arith.constant 0 : i32
      %dma_wait3A_447 = tpu.memref_slice %arg6[%scan3A_201, %dma_wait3A_445, %dma_wait3A_446] : memref<8x8x1024xf32, #tpu.memory_space<vmem>> -> memref<1x8x1024xf32, #tpu.memory_space<vmem>>
      %dma_wait3A_448 = tpu.memref_squeeze %dma_wait3A_447 : memref<1x8x1024xf32, #tpu.memory_space<vmem>> -> memref<8x1024xf32, #tpu.memory_space<vmem>>
      %dma_wait3A_449 = arith.constant 0 : i32
      %dma_wait3A_450 = arith.constant 0 : i32
      %dma_wait3A_451 = tpu.memref_slice %arg3[%dma_wait3A_449, %dma_wait3A_450] : memref<8192x1024xf32, #tpu.memory_space<hbm>> -> memref<8x1024xf32, #tpu.memory_space<hbm>>
      %dma_wait3A_452 = arith.constant 0 : i32
      %dma_wait3A_453 = arith.constant 0 : i32
      %dma_wait3A_454 = tpu.memref_slice %arg6[%scan3A_201, %dma_wait3A_452, %dma_wait3A_453] : memref<8x8x1024xf32, #tpu.memory_space<vmem>> -> memref<1x8x1024xf32, #tpu.memory_space<vmem>>
      %dma_wait3A_455 = tpu.memref_squeeze %dma_wait3A_454 : memref<1x8x1024xf32, #tpu.memory_space<vmem>> -> memref<8x1024xf32, #tpu.memory_space<vmem>>
      %dma_wait3A_456 = arith.constant 0 : i32
      %dma_wait3A_457 = arith.constant 0 : i32
      %dma_wait3A_458 = tpu.memref_slice %arg3[%dma_wait3A_456, %dma_wait3A_457] : memref<8192x1024xf32, #tpu.memory_space<hbm>> -> memref<8x1024xf32, #tpu.memory_space<hbm>>
      tpu.wait_dma2 semaphore(%arg11 : memref<!tpu.dma_semaphore, #tpu.memory_space<semaphore_mem>>) src(%dma_wait3A_458 : memref<8x1024xf32, #tpu.memory_space<hbm>>) dst(%dma_wait3A_455 : memref<8x1024xf32, #tpu.memory_space<vmem>>)
      %mul3A_459 = arith.constant 8 : i32
      %mul3A_460 = arith.muli %add3A_444, %mul3A_459 : i32
      %add3A_461 = arith.addi %mul3A_2, %mul3A_460 : i32
      %dma_start3A_462 = arith.constant 0 : i32
      %dma_start3A_463 = arith.constant 0 : i32
      %dma_start3A_464 = tpu.memref_slice %arg6[%scan3A_201, %dma_start3A_462, %dma_start3A_463] : memref<8x8x1024xf32, #tpu.memory_space<vmem>> -> memref<1x8x1024xf32, #tpu.memory_space<vmem>>
      %dma_start3A_465 = tpu.memref_squeeze %dma_start3A_464 : memref<1x8x1024xf32, #tpu.memory_space<vmem>> -> memref<8x1024xf32, #tpu.memory_space<vmem>>
      %dma_start3A_466 = arith.constant 0 : i32
      %dma_start3A_467 = tpu.memref_slice %arg4[%add3A_461, %dma_start3A_466] : memref<32768x1024xf32, #tpu.memory_space<hbm>> -> memref<8x1024xf32, #tpu.memory_space<hbm>>
      %dma_start3A_468 = arith.constant 0 : i32
      %dma_start3A_469 = tpu.memref_slice %arg4[%add3A_461, %dma_start3A_468] : memref<32768x1024xf32, #tpu.memory_space<hbm>> -> memref<8x1024xf32, #tpu.memory_space<hbm>>
      %dma_start3A_470 = arith.constant 0 : i32
      %dma_start3A_471 = arith.constant 0 : i32
      %dma_start3A_472 = tpu.memref_slice %arg6[%scan3A_201, %dma_start3A_470, %dma_start3A_471] : memref<8x8x1024xf32, #tpu.memory_space<vmem>> -> memref<1x8x1024xf32, #tpu.memory_space<vmem>>
      %dma_start3A_473 = tpu.memref_squeeze %dma_start3A_472 : memref<1x8x1024xf32, #tpu.memory_space<vmem>> -> memref<8x1024xf32, #tpu.memory_space<vmem>>
      tpu.enqueue_dma source(%dma_start3A_473 : memref<8x1024xf32, #tpu.memory_space<vmem>>) target(%dma_start3A_469 : memref<8x1024xf32, #tpu.memory_space<hbm>>) target_semaphore(%arg19 : memref<!tpu.dma_semaphore, #tpu.memory_space<semaphore_mem>>)
      %dma_wait3A_474 = arith.constant 0 : i32
      %dma_wait3A_475 = arith.constant 0 : i32
      %dma_wait3A_476 = tpu.memref_slice %arg6[%scan3A_202, %dma_wait3A_474, %dma_wait3A_475] : memref<8x8x1024xf32, #tpu.memory_space<vmem>> -> memref<1x8x1024xf32, #tpu.memory_space<vmem>>
      %dma_wait3A_477 = tpu.memref_squeeze %dma_wait3A_476 : memref<1x8x1024xf32, #tpu.memory_space<vmem>> -> memref<8x1024xf32, #tpu.memory_space<vmem>>
      %dma_wait3A_478 = arith.constant 0 : i32
      %dma_wait3A_479 = tpu.memref_slice %arg4[%mul3A_2, %dma_wait3A_478] : memref<32768x1024xf32, #tpu.memory_space<hbm>> -> memref<8x1024xf32, #tpu.memory_space<hbm>>
      %dma_wait3A_480 = arith.constant 0 : i32
      %dma_wait3A_481 = tpu.memref_slice %arg4[%mul3A_2, %dma_wait3A_480] : memref<32768x1024xf32, #tpu.memory_space<hbm>> -> memref<8x1024xf32, #tpu.memory_space<hbm>>
      %dma_wait3A_482 = arith.constant 0 : i32
      %dma_wait3A_483 = arith.constant 0 : i32
      %dma_wait3A_484 = tpu.memref_slice %arg6[%scan3A_202, %dma_wait3A_482, %dma_wait3A_483] : memref<8x8x1024xf32, #tpu.memory_space<vmem>> -> memref<1x8x1024xf32, #tpu.memory_space<vmem>>
      %dma_wait3A_485 = tpu.memref_squeeze %dma_wait3A_484 : memref<1x8x1024xf32, #tpu.memory_space<vmem>> -> memref<8x1024xf32, #tpu.memory_space<vmem>>
      tpu.wait_dma2 semaphore(%arg15 : memref<!tpu.dma_semaphore, #tpu.memory_space<semaphore_mem>>) src(%dma_wait3A_485 : memref<8x1024xf32, #tpu.memory_space<vmem>>) dst(%dma_wait3A_481 : memref<8x1024xf32, #tpu.memory_space<hbm>>)
      %add3A_486 = arith.constant 4 : i32
      %add3A_487 = arith.addi %add3A_444, %add3A_486 : i32
      %mul3A_488 = arith.constant 8 : i32
      %mul3A_489 = arith.muli %add3A_487, %mul3A_488 : i32
      %dma_start3A_490 = arith.constant 0 : i32
      %dma_start3A_491 = arith.constant 0 : i32
      %dma_start3A_492 = tpu.memref_slice %arg6[%scan3A_202, %dma_start3A_490, %dma_start3A_491] : memref<8x8x1024xf32, #tpu.memory_space<vmem>> -> memref<1x8x1024xf32, #tpu.memory_space<vmem>>
      %dma_start3A_493 = tpu.memref_squeeze %dma_start3A_492 : memref<1x8x1024xf32, #tpu.memory_space<vmem>> -> memref<8x1024xf32, #tpu.memory_space<vmem>>
      %dma_start3A_494 = tpu.memref_slice %arg5[%mul3A_489] : memref<1024xi32, #tpu.memory_space<vmem>> -> memref<8xi32, #tpu.memory_space<vmem>>
      %dma_start3A_495 = arith.constant 0 : i32
      %dma_start3A_496 = arith.constant 0 : i32
      %dma_start3A_497 = tpu.memref_slice %arg3[%dma_start3A_495, %dma_start3A_496] : memref<8192x1024xf32, #tpu.memory_space<hbm>> -> memref<8192x1024xf32, #tpu.memory_space<hbm>>
      tpu.enqueue_indirect_dma source(%dma_start3A_497 : memref<8192x1024xf32, #tpu.memory_space<hbm>>) target(%dma_start3A_493 : memref<8x1024xf32, #tpu.memory_space<vmem>>) offsets(%dma_start3A_494 : memref<8xi32, #tpu.memory_space<vmem>>) semaphore(%arg7 : memref<!tpu.dma_semaphore, #tpu.memory_space<semaphore_mem>>)
      %add3A_498 = arith.constant 1 : i32
      %add3A_499 = arith.addi %add3A_442, %add3A_498 : i32
      %dma_wait3A_500 = arith.constant 0 : i32
      %dma_wait3A_501 = arith.constant 0 : i32
      %dma_wait3A_502 = tpu.memref_slice %arg6[%scan3A_203, %dma_wait3A_500, %dma_wait3A_501] : memref<8x8x1024xf32, #tpu.memory_space<vmem>> -> memref<1x8x1024xf32, #tpu.memory_space<vmem>>
      %dma_wait3A_503 = tpu.memref_squeeze %dma_wait3A_502 : memref<1x8x1024xf32, #tpu.memory_space<vmem>> -> memref<8x1024xf32, #tpu.memory_space<vmem>>
      %dma_wait3A_504 = arith.constant 0 : i32
      %dma_wait3A_505 = arith.constant 0 : i32
      %dma_wait3A_506 = tpu.memref_slice %arg3[%dma_wait3A_504, %dma_wait3A_505] : memref<8192x1024xf32, #tpu.memory_space<hbm>> -> memref<8x1024xf32, #tpu.memory_space<hbm>>
      %dma_wait3A_507 = arith.constant 0 : i32
      %dma_wait3A_508 = arith.constant 0 : i32
      %dma_wait3A_509 = tpu.memref_slice %arg6[%scan3A_203, %dma_wait3A_507, %dma_wait3A_508] : memref<8x8x1024xf32, #tpu.memory_space<vmem>> -> memref<1x8x1024xf32, #tpu.memory_space<vmem>>
      %dma_wait3A_510 = tpu.memref_squeeze %dma_wait3A_509 : memref<1x8x1024xf32, #tpu.memory_space<vmem>> -> memref<8x1024xf32, #tpu.memory_space<vmem>>
      %dma_wait3A_511 = arith.constant 0 : i32
      %dma_wait3A_512 = arith.constant 0 : i32
      %dma_wait3A_513 = tpu.memref_slice %arg3[%dma_wait3A_511, %dma_wait3A_512] : memref<8192x1024xf32, #tpu.memory_space<hbm>> -> memref<8x1024xf32, #tpu.memory_space<hbm>>
      tpu.wait_dma2 semaphore(%arg12 : memref<!tpu.dma_semaphore, #tpu.memory_space<semaphore_mem>>) src(%dma_wait3A_513 : memref<8x1024xf32, #tpu.memory_space<hbm>>) dst(%dma_wait3A_510 : memref<8x1024xf32, #tpu.memory_space<vmem>>)
      %mul3A_514 = arith.constant 8 : i32
      %mul3A_515 = arith.muli %add3A_499, %mul3A_514 : i32
      %add3A_516 = arith.addi %mul3A_2, %mul3A_515 : i32
      %dma_start3A_517 = arith.constant 0 : i32
      %dma_start3A_518 = arith.constant 0 : i32
      %dma_start3A_519 = tpu.memref_slice %arg6[%scan3A_203, %dma_start3A_517, %dma_start3A_518] : memref<8x8x1024xf32, #tpu.memory_space<vmem>> -> memref<1x8x1024xf32, #tpu.memory_space<vmem>>
      %dma_start3A_520 = tpu.memref_squeeze %dma_start3A_519 : memref<1x8x1024xf32, #tpu.memory_space<vmem>> -> memref<8x1024xf32, #tpu.memory_space<vmem>>
      %dma_start3A_521 = arith.constant 0 : i32
      %dma_start3A_522 = tpu.memref_slice %arg4[%add3A_516, %dma_start3A_521] : memref<32768x1024xf32, #tpu.memory_space<hbm>> -> memref<8x1024xf32, #tpu.memory_space<hbm>>
      %dma_start3A_523 = arith.constant 0 : i32
      %dma_start3A_524 = tpu.memref_slice %arg4[%add3A_516, %dma_start3A_523] : memref<32768x1024xf32, #tpu.memory_space<hbm>> -> memref<8x1024xf32, #tpu.memory_space<hbm>>
      %dma_start3A_525 = arith.constant 0 : i32
      %dma_start3A_526 = arith.constant 0 : i32
      %dma_start3A_527 = tpu.memref_slice %arg6[%scan3A_203, %dma_start3A_525, %dma_start3A_526] : memref<8x8x1024xf32, #tpu.memory_space<vmem>> -> memref<1x8x1024xf32, #tpu.memory_space<vmem>>
      %dma_start3A_528 = tpu.memref_squeeze %dma_start3A_527 : memref<1x8x1024xf32, #tpu.memory_space<vmem>> -> memref<8x1024xf32, #tpu.memory_space<vmem>>
      tpu.enqueue_dma source(%dma_start3A_528 : memref<8x1024xf32, #tpu.memory_space<vmem>>) target(%dma_start3A_524 : memref<8x1024xf32, #tpu.memory_space<hbm>>) target_semaphore(%arg20 : memref<!tpu.dma_semaphore, #tpu.memory_space<semaphore_mem>>)
      %dma_wait3A_529 = arith.constant 0 : i32
      %dma_wait3A_530 = arith.constant 0 : i32
      %dma_wait3A_531 = tpu.memref_slice %arg6[%scan3A_204, %dma_wait3A_529, %dma_wait3A_530] : memref<8x8x1024xf32, #tpu.memory_space<vmem>> -> memref<1x8x1024xf32, #tpu.memory_space<vmem>>
      %dma_wait3A_532 = tpu.memref_squeeze %dma_wait3A_531 : memref<1x8x1024xf32, #tpu.memory_space<vmem>> -> memref<8x1024xf32, #tpu.memory_space<vmem>>
      %dma_wait3A_533 = arith.constant 0 : i32
      %dma_wait3A_534 = tpu.memref_slice %arg4[%mul3A_2, %dma_wait3A_533] : memref<32768x1024xf32, #tpu.memory_space<hbm>> -> memref<8x1024xf32, #tpu.memory_space<hbm>>
      %dma_wait3A_535 = arith.constant 0 : i32
      %dma_wait3A_536 = tpu.memref_slice %arg4[%mul3A_2, %dma_wait3A_535] : memref<32768x1024xf32, #tpu.memory_space<hbm>> -> memref<8x1024xf32, #tpu.memory_space<hbm>>
      %dma_wait3A_537 = arith.constant 0 : i32
      %dma_wait3A_538 = arith.constant 0 : i32
      %dma_wait3A_539 = tpu.memref_slice %arg6[%scan3A_204, %dma_wait3A_537, %dma_wait3A_538] : memref<8x8x1024xf32, #tpu.memory_space<vmem>> -> memref<1x8x1024xf32, #tpu.memory_space<vmem>>
      %dma_wait3A_540 = tpu.memref_squeeze %dma_wait3A_539 : memref<1x8x1024xf32, #tpu.memory_space<vmem>> -> memref<8x1024xf32, #tpu.memory_space<vmem>>
      tpu.wait_dma2 semaphore(%arg16 : memref<!tpu.dma_semaphore, #tpu.memory_space<semaphore_mem>>) src(%dma_wait3A_540 : memref<8x1024xf32, #tpu.memory_space<vmem>>) dst(%dma_wait3A_536 : memref<8x1024xf32, #tpu.memory_space<hbm>>)
      %add3A_541 = arith.constant 4 : i32
      %add3A_542 = arith.addi %add3A_499, %add3A_541 : i32
      %mul3A_543 = arith.constant 8 : i32
      %mul3A_544 = arith.muli %add3A_542, %mul3A_543 : i32
      %dma_start3A_545 = arith.constant 0 : i32
      %dma_start3A_546 = arith.constant 0 : i32
      %dma_start3A_547 = tpu.memref_slice %arg6[%scan3A_204, %dma_start3A_545, %dma_start3A_546] : memref<8x8x1024xf32, #tpu.memory_space<vmem>> -> memref<1x8x1024xf32, #tpu.memory_space<vmem>>
      %dma_start3A_548 = tpu.memref_squeeze %dma_start3A_547 : memref<1x8x1024xf32, #tpu.memory_space<vmem>> -> memref<8x1024xf32, #tpu.memory_space<vmem>>
      %dma_start3A_549 = tpu.memref_slice %arg5[%mul3A_544] : memref<1024xi32, #tpu.memory_space<vmem>> -> memref<8xi32, #tpu.memory_space<vmem>>
      %dma_start3A_550 = arith.constant 0 : i32
      %dma_start3A_551 = arith.constant 0 : i32
      %dma_start3A_552 = tpu.memref_slice %arg3[%dma_start3A_550, %dma_start3A_551] : memref<8192x1024xf32, #tpu.memory_space<hbm>> -> memref<8192x1024xf32, #tpu.memory_space<hbm>>
      tpu.enqueue_indirect_dma source(%dma_start3A_552 : memref<8192x1024xf32, #tpu.memory_space<hbm>>) target(%dma_start3A_548 : memref<8x1024xf32, #tpu.memory_space<vmem>>) offsets(%dma_start3A_549 : memref<8xi32, #tpu.memory_space<vmem>>) semaphore(%arg8 : memref<!tpu.dma_semaphore, #tpu.memory_space<semaphore_mem>>)
      %add3A_553 = arith.constant 2 : i32
      %add3A_554 = arith.addi %add3A_442, %add3A_553 : i32
      %dma_wait3A_555 = arith.constant 0 : i32
      %dma_wait3A_556 = arith.constant 0 : i32
      %dma_wait3A_557 = tpu.memref_slice %arg6[%scan3A_205, %dma_wait3A_555, %dma_wait3A_556] : memref<8x8x1024xf32, #tpu.memory_space<vmem>> -> memref<1x8x1024xf32, #tpu.memory_space<vmem>>
      %dma_wait3A_558 = tpu.memref_squeeze %dma_wait3A_557 : memref<1x8x1024xf32, #tpu.memory_space<vmem>> -> memref<8x1024xf32, #tpu.memory_space<vmem>>
      %dma_wait3A_559 = arith.constant 0 : i32
      %dma_wait3A_560 = arith.constant 0 : i32
      %dma_wait3A_561 = tpu.memref_slice %arg3[%dma_wait3A_559, %dma_wait3A_560] : memref<8192x1024xf32, #tpu.memory_space<hbm>> -> memref<8x1024xf32, #tpu.memory_space<hbm>>
      %dma_wait3A_562 = arith.constant 0 : i32
      %dma_wait3A_563 = arith.constant 0 : i32
      %dma_wait3A_564 = tpu.memref_slice %arg6[%scan3A_205, %dma_wait3A_562, %dma_wait3A_563] : memref<8x8x1024xf32, #tpu.memory_space<vmem>> -> memref<1x8x1024xf32, #tpu.memory_space<vmem>>
      %dma_wait3A_565 = tpu.memref_squeeze %dma_wait3A_564 : memref<1x8x1024xf32, #tpu.memory_space<vmem>> -> memref<8x1024xf32, #tpu.memory_space<vmem>>
      %dma_wait3A_566 = arith.constant 0 : i32
      %dma_wait3A_567 = arith.constant 0 : i32
      %dma_wait3A_568 = tpu.memref_slice %arg3[%dma_wait3A_566, %dma_wait3A_567] : memref<8192x1024xf32, #tpu.memory_space<hbm>> -> memref<8x1024xf32, #tpu.memory_space<hbm>>
      tpu.wait_dma2 semaphore(%arg13 : memref<!tpu.dma_semaphore, #tpu.memory_space<semaphore_mem>>) src(%dma_wait3A_568 : memref<8x1024xf32, #tpu.memory_space<hbm>>) dst(%dma_wait3A_565 : memref<8x1024xf32, #tpu.memory_space<vmem>>)
      %mul3A_569 = arith.constant 8 : i32
      %mul3A_570 = arith.muli %add3A_554, %mul3A_569 : i32
      %add3A_571 = arith.addi %mul3A_2, %mul3A_570 : i32
      %dma_start3A_572 = arith.constant 0 : i32
      %dma_start3A_573 = arith.constant 0 : i32
      %dma_start3A_574 = tpu.memref_slice %arg6[%scan3A_205, %dma_start3A_572, %dma_start3A_573] : memref<8x8x1024xf32, #tpu.memory_space<vmem>> -> memref<1x8x1024xf32, #tpu.memory_space<vmem>>
      %dma_start3A_575 = tpu.memref_squeeze %dma_start3A_574 : memref<1x8x1024xf32, #tpu.memory_space<vmem>> -> memref<8x1024xf32, #tpu.memory_space<vmem>>
      %dma_start3A_576 = arith.constant 0 : i32
      %dma_start3A_577 = tpu.memref_slice %arg4[%add3A_571, %dma_start3A_576] : memref<32768x1024xf32, #tpu.memory_space<hbm>> -> memref<8x1024xf32, #tpu.memory_space<hbm>>
      %dma_start3A_578 = arith.constant 0 : i32
      %dma_start3A_579 = tpu.memref_slice %arg4[%add3A_571, %dma_start3A_578] : memref<32768x1024xf32, #tpu.memory_space<hbm>> -> memref<8x1024xf32, #tpu.memory_space<hbm>>
      %dma_start3A_580 = arith.constant 0 : i32
      %dma_start3A_581 = arith.constant 0 : i32
      %dma_start3A_582 = tpu.memref_slice %arg6[%scan3A_205, %dma_start3A_580, %dma_start3A_581] : memref<8x8x1024xf32, #tpu.memory_space<vmem>> -> memref<1x8x1024xf32, #tpu.memory_space<vmem>>
      %dma_start3A_583 = tpu.memref_squeeze %dma_start3A_582 : memref<1x8x1024xf32, #tpu.memory_space<vmem>> -> memref<8x1024xf32, #tpu.memory_space<vmem>>
      tpu.enqueue_dma source(%dma_start3A_583 : memref<8x1024xf32, #tpu.memory_space<vmem>>) target(%dma_start3A_579 : memref<8x1024xf32, #tpu.memory_space<hbm>>) target_semaphore(%arg21 : memref<!tpu.dma_semaphore, #tpu.memory_space<semaphore_mem>>)
      %dma_wait3A_584 = arith.constant 0 : i32
      %dma_wait3A_585 = arith.constant 0 : i32
      %dma_wait3A_586 = tpu.memref_slice %arg6[%scan3A_206, %dma_wait3A_584, %dma_wait3A_585] : memref<8x8x1024xf32, #tpu.memory_space<vmem>> -> memref<1x8x1024xf32, #tpu.memory_space<vmem>>
      %dma_wait3A_587 = tpu.memref_squeeze %dma_wait3A_586 : memref<1x8x1024xf32, #tpu.memory_space<vmem>> -> memref<8x1024xf32, #tpu.memory_space<vmem>>
      %dma_wait3A_588 = arith.constant 0 : i32
      %dma_wait3A_589 = tpu.memref_slice %arg4[%mul3A_2, %dma_wait3A_588] : memref<32768x1024xf32, #tpu.memory_space<hbm>> -> memref<8x1024xf32, #tpu.memory_space<hbm>>
      %dma_wait3A_590 = arith.constant 0 : i32
      %dma_wait3A_591 = tpu.memref_slice %arg4[%mul3A_2, %dma_wait3A_590] : memref<32768x1024xf32, #tpu.memory_space<hbm>> -> memref<8x1024xf32, #tpu.memory_space<hbm>>
      %dma_wait3A_592 = arith.constant 0 : i32
      %dma_wait3A_593 = arith.constant 0 : i32
      %dma_wait3A_594 = tpu.memref_slice %arg6[%scan3A_206, %dma_wait3A_592, %dma_wait3A_593] : memref<8x8x1024xf32, #tpu.memory_space<vmem>> -> memref<1x8x1024xf32, #tpu.memory_space<vmem>>
      %dma_wait3A_595 = tpu.memref_squeeze %dma_wait3A_594 : memref<1x8x1024xf32, #tpu.memory_space<vmem>> -> memref<8x1024xf32, #tpu.memory_space<vmem>>
      tpu.wait_dma2 semaphore(%arg17 : memref<!tpu.dma_semaphore, #tpu.memory_space<semaphore_mem>>) src(%dma_wait3A_595 : memref<8x1024xf32, #tpu.memory_space<vmem>>) dst(%dma_wait3A_591 : memref<8x1024xf32, #tpu.memory_space<hbm>>)
      %add3A_596 = arith.constant 4 : i32
      %add3A_597 = arith.addi %add3A_554, %add3A_596 : i32
      %mul3A_598 = arith.constant 8 : i32
      %mul3A_599 = arith.muli %add3A_597, %mul3A_598 : i32
      %dma_start3A_600 = arith.constant 0 : i32
      %dma_start3A_601 = arith.constant 0 : i32
      %dma_start3A_602 = tpu.memref_slice %arg6[%scan3A_206, %dma_start3A_600, %dma_start3A_601] : memref<8x8x1024xf32, #tpu.memory_space<vmem>> -> memref<1x8x1024xf32, #tpu.memory_space<vmem>>
      %dma_start3A_603 = tpu.memref_squeeze %dma_start3A_602 : memref<1x8x1024xf32, #tpu.memory_space<vmem>> -> memref<8x1024xf32, #tpu.memory_space<vmem>>
      %dma_start3A_604 = tpu.memref_slice %arg5[%mul3A_599] : memref<1024xi32, #tpu.memory_space<vmem>> -> memref<8xi32, #tpu.memory_space<vmem>>
      %dma_start3A_605 = arith.constant 0 : i32
      %dma_start3A_606 = arith.constant 0 : i32
      %dma_start3A_607 = tpu.memref_slice %arg3[%dma_start3A_605, %dma_start3A_606] : memref<8192x1024xf32, #tpu.memory_space<hbm>> -> memref<8192x1024xf32, #tpu.memory_space<hbm>>
      tpu.enqueue_indirect_dma source(%dma_start3A_607 : memref<8192x1024xf32, #tpu.memory_space<hbm>>) target(%dma_start3A_603 : memref<8x1024xf32, #tpu.memory_space<vmem>>) offsets(%dma_start3A_604 : memref<8xi32, #tpu.memory_space<vmem>>) semaphore(%arg9 : memref<!tpu.dma_semaphore, #tpu.memory_space<semaphore_mem>>)
      %add3A_608 = arith.constant 3 : i32
      %add3A_609 = arith.addi %add3A_442, %add3A_608 : i32
      %dma_wait3A_610 = arith.constant 0 : i32
      %dma_wait3A_611 = arith.constant 0 : i32
      %dma_wait3A_612 = tpu.memref_slice %arg6[%scan3A_207, %dma_wait3A_610, %dma_wait3A_611] : memref<8x8x1024xf32, #tpu.memory_space<vmem>> -> memref<1x8x1024xf32, #tpu.memory_space<vmem>>
      %dma_wait3A_613 = tpu.memref_squeeze %dma_wait3A_612 : memref<1x8x1024xf32, #tpu.memory_space<vmem>> -> memref<8x1024xf32, #tpu.memory_space<vmem>>
      %dma_wait3A_614 = arith.constant 0 : i32
      %dma_wait3A_615 = arith.constant 0 : i32
      %dma_wait3A_616 = tpu.memref_slice %arg3[%dma_wait3A_614, %dma_wait3A_615] : memref<8192x1024xf32, #tpu.memory_space<hbm>> -> memref<8x1024xf32, #tpu.memory_space<hbm>>
      %dma_wait3A_617 = arith.constant 0 : i32
      %dma_wait3A_618 = arith.constant 0 : i32
      %dma_wait3A_619 = tpu.memref_slice %arg6[%scan3A_207, %dma_wait3A_617, %dma_wait3A_618] : memref<8x8x1024xf32, #tpu.memory_space<vmem>> -> memref<1x8x1024xf32, #tpu.memory_space<vmem>>
      %dma_wait3A_620 = tpu.memref_squeeze %dma_wait3A_619 : memref<1x8x1024xf32, #tpu.memory_space<vmem>> -> memref<8x1024xf32, #tpu.memory_space<vmem>>
      %dma_wait3A_621 = arith.constant 0 : i32
      %dma_wait3A_622 = arith.constant 0 : i32
      %dma_wait3A_623 = tpu.memref_slice %arg3[%dma_wait3A_621, %dma_wait3A_622] : memref<8192x1024xf32, #tpu.memory_space<hbm>> -> memref<8x1024xf32, #tpu.memory_space<hbm>>
      tpu.wait_dma2 semaphore(%arg14 : memref<!tpu.dma_semaphore, #tpu.memory_space<semaphore_mem>>) src(%dma_wait3A_623 : memref<8x1024xf32, #tpu.memory_space<hbm>>) dst(%dma_wait3A_620 : memref<8x1024xf32, #tpu.memory_space<vmem>>)
      %mul3A_624 = arith.constant 8 : i32
      %mul3A_625 = arith.muli %add3A_609, %mul3A_624 : i32
      %add3A_626 = arith.addi %mul3A_2, %mul3A_625 : i32
      %dma_start3A_627 = arith.constant 0 : i32
      %dma_start3A_628 = arith.constant 0 : i32
      %dma_start3A_629 = tpu.memref_slice %arg6[%scan3A_207, %dma_start3A_627, %dma_start3A_628] : memref<8x8x1024xf32, #tpu.memory_space<vmem>> -> memref<1x8x1024xf32, #tpu.memory_space<vmem>>
      %dma_start3A_630 = tpu.memref_squeeze %dma_start3A_629 : memref<1x8x1024xf32, #tpu.memory_space<vmem>> -> memref<8x1024xf32, #tpu.memory_space<vmem>>
      %dma_start3A_631 = arith.constant 0 : i32
      %dma_start3A_632 = tpu.memref_slice %arg4[%add3A_626, %dma_start3A_631] : memref<32768x1024xf32, #tpu.memory_space<hbm>> -> memref<8x1024xf32, #tpu.memory_space<hbm>>
      %dma_start3A_633 = arith.constant 0 : i32
      %dma_start3A_634 = tpu.memref_slice %arg4[%add3A_626, %dma_start3A_633] : memref<32768x1024xf32, #tpu.memory_space<hbm>> -> memref<8x1024xf32, #tpu.memory_space<hbm>>
      %dma_start3A_635 = arith.constant 0 : i32
      %dma_start3A_636 = arith.constant 0 : i32
      %dma_start3A_637 = tpu.memref_slice %arg6[%scan3A_207, %dma_start3A_635, %dma_start3A_636] : memref<8x8x1024xf32, #tpu.memory_space<vmem>> -> memref<1x8x1024xf32, #tpu.memory_space<vmem>>
      %dma_start3A_638 = tpu.memref_squeeze %dma_start3A_637 : memref<1x8x1024xf32, #tpu.memory_space<vmem>> -> memref<8x1024xf32, #tpu.memory_space<vmem>>
      tpu.enqueue_dma source(%dma_start3A_638 : memref<8x1024xf32, #tpu.memory_space<vmem>>) target(%dma_start3A_634 : memref<8x1024xf32, #tpu.memory_space<hbm>>) target_semaphore(%arg22 : memref<!tpu.dma_semaphore, #tpu.memory_space<semaphore_mem>>)
      %dma_wait3A_639 = arith.constant 0 : i32
      %dma_wait3A_640 = arith.constant 0 : i32
      %dma_wait3A_641 = tpu.memref_slice %arg6[%scan3A_208, %dma_wait3A_639, %dma_wait3A_640] : memref<8x8x1024xf32, #tpu.memory_space<vmem>> -> memref<1x8x1024xf32, #tpu.memory_space<vmem>>
      %dma_wait3A_642 = tpu.memref_squeeze %dma_wait3A_641 : memref<1x8x1024xf32, #tpu.memory_space<vmem>> -> memref<8x1024xf32, #tpu.memory_space<vmem>>
      %dma_wait3A_643 = arith.constant 0 : i32
      %dma_wait3A_644 = tpu.memref_slice %arg4[%mul3A_2, %dma_wait3A_643] : memref<32768x1024xf32, #tpu.memory_space<hbm>> -> memref<8x1024xf32, #tpu.memory_space<hbm>>
      %dma_wait3A_645 = arith.constant 0 : i32
      %dma_wait3A_646 = tpu.memref_slice %arg4[%mul3A_2, %dma_wait3A_645] : memref<32768x1024xf32, #tpu.memory_space<hbm>> -> memref<8x1024xf32, #tpu.memory_space<hbm>>
      %dma_wait3A_647 = arith.constant 0 : i32
      %dma_wait3A_648 = arith.constant 0 : i32
      %dma_wait3A_649 = tpu.memref_slice %arg6[%scan3A_208, %dma_wait3A_647, %dma_wait3A_648] : memref<8x8x1024xf32, #tpu.memory_space<vmem>> -> memref<1x8x1024xf32, #tpu.memory_space<vmem>>
      %dma_wait3A_650 = tpu.memref_squeeze %dma_wait3A_649 : memref<1x8x1024xf32, #tpu.memory_space<vmem>> -> memref<8x1024xf32, #tpu.memory_space<vmem>>
      tpu.wait_dma2 semaphore(%arg18 : memref<!tpu.dma_semaphore, #tpu.memory_space<semaphore_mem>>) src(%dma_wait3A_650 : memref<8x1024xf32, #tpu.memory_space<vmem>>) dst(%dma_wait3A_646 : memref<8x1024xf32, #tpu.memory_space<hbm>>)
      %add3A_651 = arith.constant 4 : i32
      %add3A_652 = arith.addi %add3A_609, %add3A_651 : i32
      %mul3A_653 = arith.constant 8 : i32
      %mul3A_654 = arith.muli %add3A_652, %mul3A_653 : i32
      %dma_start3A_655 = arith.constant 0 : i32
      %dma_start3A_656 = arith.constant 0 : i32
      %dma_start3A_657 = tpu.memref_slice %arg6[%scan3A_208, %dma_start3A_655, %dma_start3A_656] : memref<8x8x1024xf32, #tpu.memory_space<vmem>> -> memref<1x8x1024xf32, #tpu.memory_space<vmem>>
      %dma_start3A_658 = tpu.memref_squeeze %dma_start3A_657 : memref<1x8x1024xf32, #tpu.memory_space<vmem>> -> memref<8x1024xf32, #tpu.memory_space<vmem>>
      %dma_start3A_659 = tpu.memref_slice %arg5[%mul3A_654] : memref<1024xi32, #tpu.memory_space<vmem>> -> memref<8xi32, #tpu.memory_space<vmem>>
      %dma_start3A_660 = arith.constant 0 : i32
      %dma_start3A_661 = arith.constant 0 : i32
      %dma_start3A_662 = tpu.memref_slice %arg3[%dma_start3A_660, %dma_start3A_661] : memref<8192x1024xf32, #tpu.memory_space<hbm>> -> memref<8192x1024xf32, #tpu.memory_space<hbm>>
      tpu.enqueue_indirect_dma source(%dma_start3A_662 : memref<8192x1024xf32, #tpu.memory_space<hbm>>) target(%dma_start3A_658 : memref<8x1024xf32, #tpu.memory_space<vmem>>) offsets(%dma_start3A_659 : memref<8xi32, #tpu.memory_space<vmem>>) semaphore(%arg10 : memref<!tpu.dma_semaphore, #tpu.memory_space<semaphore_mem>>)
      %add3A_663 = arith.constant 4 : i32
      %add3A_664 = arith.addi %add3A_442, %add3A_663 : i32
      %dma_wait3A_665 = arith.constant 0 : i32
      %dma_wait3A_666 = arith.constant 0 : i32
      %dma_wait3A_667 = tpu.memref_slice %arg6[%scan3A_202, %dma_wait3A_665, %dma_wait3A_666] : memref<8x8x1024xf32, #tpu.memory_space<vmem>> -> memref<1x8x1024xf32, #tpu.memory_space<vmem>>
      %dma_wait3A_668 = tpu.memref_squeeze %dma_wait3A_667 : memref<1x8x1024xf32, #tpu.memory_space<vmem>> -> memref<8x1024xf32, #tpu.memory_space<vmem>>
      %dma_wait3A_669 = arith.constant 0 : i32
      %dma_wait3A_670 = arith.constant 0 : i32
      %dma_wait3A_671 = tpu.memref_slice %arg3[%dma_wait3A_669, %dma_wait3A_670] : memref<8192x1024xf32, #tpu.memory_space<hbm>> -> memref<8x1024xf32, #tpu.memory_space<hbm>>
      %dma_wait3A_672 = arith.constant 0 : i32
      %dma_wait3A_673 = arith.constant 0 : i32
      %dma_wait3A_674 = tpu.memref_slice %arg6[%scan3A_202, %dma_wait3A_672, %dma_wait3A_673] : memref<8x8x1024xf32, #tpu.memory_space<vmem>> -> memref<1x8x1024xf32, #tpu.memory_space<vmem>>
      %dma_wait3A_675 = tpu.memref_squeeze %dma_wait3A_674 : memref<1x8x1024xf32, #tpu.memory_space<vmem>> -> memref<8x1024xf32, #tpu.memory_space<vmem>>
      %dma_wait3A_676 = arith.constant 0 : i32
      %dma_wait3A_677 = arith.constant 0 : i32
      %dma_wait3A_678 = tpu.memref_slice %arg3[%dma_wait3A_676, %dma_wait3A_677] : memref<8192x1024xf32, #tpu.memory_space<hbm>> -> memref<8x1024xf32, #tpu.memory_space<hbm>>
      tpu.wait_dma2 semaphore(%arg7 : memref<!tpu.dma_semaphore, #tpu.memory_space<semaphore_mem>>) src(%dma_wait3A_678 : memref<8x1024xf32, #tpu.memory_space<hbm>>) dst(%dma_wait3A_675 : memref<8x1024xf32, #tpu.memory_space<vmem>>)
      %mul3A_679 = arith.constant 8 : i32
      %mul3A_680 = arith.muli %add3A_664, %mul3A_679 : i32
      %add3A_681 = arith.addi %mul3A_2, %mul3A_680 : i32
      %dma_start3A_682 = arith.constant 0 : i32
      %dma_start3A_683 = arith.constant 0 : i32
      %dma_start3A_684 = tpu.memref_slice %arg6[%scan3A_202, %dma_start3A_682, %dma_start3A_683] : memref<8x8x1024xf32, #tpu.memory_space<vmem>> -> memref<1x8x1024xf32, #tpu.memory_space<vmem>>
      %dma_start3A_685 = tpu.memref_squeeze %dma_start3A_684 : memref<1x8x1024xf32, #tpu.memory_space<vmem>> -> memref<8x1024xf32, #tpu.memory_space<vmem>>
      %dma_start3A_686 = arith.constant 0 : i32
      %dma_start3A_687 = tpu.memref_slice %arg4[%add3A_681, %dma_start3A_686] : memref<32768x1024xf32, #tpu.memory_space<hbm>> -> memref<8x1024xf32, #tpu.memory_space<hbm>>
      %dma_start3A_688 = arith.constant 0 : i32
      %dma_start3A_689 = tpu.memref_slice %arg4[%add3A_681, %dma_start3A_688] : memref<32768x1024xf32, #tpu.memory_space<hbm>> -> memref<8x1024xf32, #tpu.memory_space<hbm>>
      %dma_start3A_690 = arith.constant 0 : i32
      %dma_start3A_691 = arith.constant 0 : i32
      %dma_start3A_692 = tpu.memref_slice %arg6[%scan3A_202, %dma_start3A_690, %dma_start3A_691] : memref<8x8x1024xf32, #tpu.memory_space<vmem>> -> memref<1x8x1024xf32, #tpu.memory_space<vmem>>
      %dma_start3A_693 = tpu.memref_squeeze %dma_start3A_692 : memref<1x8x1024xf32, #tpu.memory_space<vmem>> -> memref<8x1024xf32, #tpu.memory_space<vmem>>
      tpu.enqueue_dma source(%dma_start3A_693 : memref<8x1024xf32, #tpu.memory_space<vmem>>) target(%dma_start3A_689 : memref<8x1024xf32, #tpu.memory_space<hbm>>) target_semaphore(%arg15 : memref<!tpu.dma_semaphore, #tpu.memory_space<semaphore_mem>>)
      %dma_wait3A_694 = arith.constant 0 : i32
      %dma_wait3A_695 = arith.constant 0 : i32
      %dma_wait3A_696 = tpu.memref_slice %arg6[%scan3A_201, %dma_wait3A_694, %dma_wait3A_695] : memref<8x8x1024xf32, #tpu.memory_space<vmem>> -> memref<1x8x1024xf32, #tpu.memory_space<vmem>>
      %dma_wait3A_697 = tpu.memref_squeeze %dma_wait3A_696 : memref<1x8x1024xf32, #tpu.memory_space<vmem>> -> memref<8x1024xf32, #tpu.memory_space<vmem>>
      %dma_wait3A_698 = arith.constant 0 : i32
      %dma_wait3A_699 = tpu.memref_slice %arg4[%mul3A_2, %dma_wait3A_698] : memref<32768x1024xf32, #tpu.memory_space<hbm>> -> memref<8x1024xf32, #tpu.memory_space<hbm>>
      %dma_wait3A_700 = arith.constant 0 : i32
      %dma_wait3A_701 = tpu.memref_slice %arg4[%mul3A_2, %dma_wait3A_700] : memref<32768x1024xf32, #tpu.memory_space<hbm>> -> memref<8x1024xf32, #tpu.memory_space<hbm>>
      %dma_wait3A_702 = arith.constant 0 : i32
      %dma_wait3A_703 = arith.constant 0 : i32
      %dma_wait3A_704 = tpu.memref_slice %arg6[%scan3A_201, %dma_wait3A_702, %dma_wait3A_703] : memref<8x8x1024xf32, #tpu.memory_space<vmem>> -> memref<1x8x1024xf32, #tpu.memory_space<vmem>>
      %dma_wait3A_705 = tpu.memref_squeeze %dma_wait3A_704 : memref<1x8x1024xf32, #tpu.memory_space<vmem>> -> memref<8x1024xf32, #tpu.memory_space<vmem>>
      tpu.wait_dma2 semaphore(%arg19 : memref<!tpu.dma_semaphore, #tpu.memory_space<semaphore_mem>>) src(%dma_wait3A_705 : memref<8x1024xf32, #tpu.memory_space<vmem>>) dst(%dma_wait3A_701 : memref<8x1024xf32, #tpu.memory_space<hbm>>)
      %add3A_706 = arith.constant 4 : i32
      %add3A_707 = arith.addi %add3A_664, %add3A_706 : i32
      %mul3A_708 = arith.constant 8 : i32
      %mul3A_709 = arith.muli %add3A_707, %mul3A_708 : i32
      %dma_start3A_710 = arith.constant 0 : i32
      %dma_start3A_711 = arith.constant 0 : i32
      %dma_start3A_712 = tpu.memref_slice %arg6[%scan3A_201, %dma_start3A_710, %dma_start3A_711] : memref<8x8x1024xf32, #tpu.memory_space<vmem>> -> memref<1x8x1024xf32, #tpu.memory_space<vmem>>
      %dma_start3A_713 = tpu.memref_squeeze %dma_start3A_712 : memref<1x8x1024xf32, #tpu.memory_space<vmem>> -> memref<8x1024xf32, #tpu.memory_space<vmem>>
      %dma_start3A_714 = tpu.memref_slice %arg5[%mul3A_709] : memref<1024xi32, #tpu.memory_space<vmem>> -> memref<8xi32, #tpu.memory_space<vmem>>
      %dma_start3A_715 = arith.constant 0 : i32
      %dma_start3A_716 = arith.constant 0 : i32
      %dma_start3A_717 = tpu.memref_slice %arg3[%dma_start3A_715, %dma_start3A_716] : memref<8192x1024xf32, #tpu.memory_space<hbm>> -> memref<8192x1024xf32, #tpu.memory_space<hbm>>
      tpu.enqueue_indirect_dma source(%dma_start3A_717 : memref<8192x1024xf32, #tpu.memory_space<hbm>>) target(%dma_start3A_713 : memref<8x1024xf32, #tpu.memory_space<vmem>>) offsets(%dma_start3A_714 : memref<8xi32, #tpu.memory_space<vmem>>) semaphore(%arg11 : memref<!tpu.dma_semaphore, #tpu.memory_space<semaphore_mem>>)
      %add3A_718 = arith.constant 5 : i32
      %add3A_719 = arith.addi %add3A_442, %add3A_718 : i32
      %dma_wait3A_720 = arith.constant 0 : i32
      %dma_wait3A_721 = arith.constant 0 : i32
      %dma_wait3A_722 = tpu.memref_slice %arg6[%scan3A_204, %dma_wait3A_720, %dma_wait3A_721] : memref<8x8x1024xf32, #tpu.memory_space<vmem>> -> memref<1x8x1024xf32, #tpu.memory_space<vmem>>
      %dma_wait3A_723 = tpu.memref_squeeze %dma_wait3A_722 : memref<1x8x1024xf32, #tpu.memory_space<vmem>> -> memref<8x1024xf32, #tpu.memory_space<vmem>>
      %dma_wait3A_724 = arith.constant 0 : i32
      %dma_wait3A_725 = arith.constant 0 : i32
      %dma_wait3A_726 = tpu.memref_slice %arg3[%dma_wait3A_724, %dma_wait3A_725] : memref<8192x1024xf32, #tpu.memory_space<hbm>> -> memref<8x1024xf32, #tpu.memory_space<hbm>>
      %dma_wait3A_727 = arith.constant 0 : i32
      %dma_wait3A_728 = arith.constant 0 : i32
      %dma_wait3A_729 = tpu.memref_slice %arg6[%scan3A_204, %dma_wait3A_727, %dma_wait3A_728] : memref<8x8x1024xf32, #tpu.memory_space<vmem>> -> memref<1x8x1024xf32, #tpu.memory_space<vmem>>
      %dma_wait3A_730 = tpu.memref_squeeze %dma_wait3A_729 : memref<1x8x1024xf32, #tpu.memory_space<vmem>> -> memref<8x1024xf32, #tpu.memory_space<vmem>>
      %dma_wait3A_731 = arith.constant 0 : i32
      %dma_wait3A_732 = arith.constant 0 : i32
      %dma_wait3A_733 = tpu.memref_slice %arg3[%dma_wait3A_731, %dma_wait3A_732] : memref<8192x1024xf32, #tpu.memory_space<hbm>> -> memref<8x1024xf32, #tpu.memory_space<hbm>>
      tpu.wait_dma2 semaphore(%arg8 : memref<!tpu.dma_semaphore, #tpu.memory_space<semaphore_mem>>) src(%dma_wait3A_733 : memref<8x1024xf32, #tpu.memory_space<hbm>>) dst(%dma_wait3A_730 : memref<8x1024xf32, #tpu.memory_space<vmem>>)
      %mul3A_734 = arith.constant 8 : i32
      %mul3A_735 = arith.muli %add3A_719, %mul3A_734 : i32
      %add3A_736 = arith.addi %mul3A_2, %mul3A_735 : i32
      %dma_start3A_737 = arith.constant 0 : i32
      %dma_start3A_738 = arith.constant 0 : i32
      %dma_start3A_739 = tpu.memref_slice %arg6[%scan3A_204, %dma_start3A_737, %dma_start3A_738] : memref<8x8x1024xf32, #tpu.memory_space<vmem>> -> memref<1x8x1024xf32, #tpu.memory_space<vmem>>
      %dma_start3A_740 = tpu.memref_squeeze %dma_start3A_739 : memref<1x8x1024xf32, #tpu.memory_space<vmem>> -> memref<8x1024xf32, #tpu.memory_space<vmem>>
      %dma_start3A_741 = arith.constant 0 : i32
      %dma_start3A_742 = tpu.memref_slice %arg4[%add3A_736, %dma_start3A_741] : memref<32768x1024xf32, #tpu.memory_space<hbm>> -> memref<8x1024xf32, #tpu.memory_space<hbm>>
      %dma_start3A_743 = arith.constant 0 : i32
      %dma_start3A_744 = tpu.memref_slice %arg4[%add3A_736, %dma_start3A_743] : memref<32768x1024xf32, #tpu.memory_space<hbm>> -> memref<8x1024xf32, #tpu.memory_space<hbm>>
      %dma_start3A_745 = arith.constant 0 : i32
      %dma_start3A_746 = arith.constant 0 : i32
      %dma_start3A_747 = tpu.memref_slice %arg6[%scan3A_204, %dma_start3A_745, %dma_start3A_746] : memref<8x8x1024xf32, #tpu.memory_space<vmem>> -> memref<1x8x1024xf32, #tpu.memory_space<vmem>>
      %dma_start3A_748 = tpu.memref_squeeze %dma_start3A_747 : memref<1x8x1024xf32, #tpu.memory_space<vmem>> -> memref<8x1024xf32, #tpu.memory_space<vmem>>
      tpu.enqueue_dma source(%dma_start3A_748 : memref<8x1024xf32, #tpu.memory_space<vmem>>) target(%dma_start3A_744 : memref<8x1024xf32, #tpu.memory_space<hbm>>) target_semaphore(%arg16 : memref<!tpu.dma_semaphore, #tpu.memory_space<semaphore_mem>>)
      %dma_wait3A_749 = arith.constant 0 : i32
      %dma_wait3A_750 = arith.constant 0 : i32
      %dma_wait3A_751 = tpu.memref_slice %arg6[%scan3A_203, %dma_wait3A_749, %dma_wait3A_750] : memref<8x8x1024xf32, #tpu.memory_space<vmem>> -> memref<1x8x1024xf32, #tpu.memory_space<vmem>>
      %dma_wait3A_752 = tpu.memref_squeeze %dma_wait3A_751 : memref<1x8x1024xf32, #tpu.memory_space<vmem>> -> memref<8x1024xf32, #tpu.memory_space<vmem>>
      %dma_wait3A_753 = arith.constant 0 : i32
      %dma_wait3A_754 = tpu.memref_slice %arg4[%mul3A_2, %dma_wait3A_753] : memref<32768x1024xf32, #tpu.memory_space<hbm>> -> memref<8x1024xf32, #tpu.memory_space<hbm>>
      %dma_wait3A_755 = arith.constant 0 : i32
      %dma_wait3A_756 = tpu.memref_slice %arg4[%mul3A_2, %dma_wait3A_755] : memref<32768x1024xf32, #tpu.memory_space<hbm>> -> memref<8x1024xf32, #tpu.memory_space<hbm>>
      %dma_wait3A_757 = arith.constant 0 : i32
      %dma_wait3A_758 = arith.constant 0 : i32
      %dma_wait3A_759 = tpu.memref_slice %arg6[%scan3A_203, %dma_wait3A_757, %dma_wait3A_758] : memref<8x8x1024xf32, #tpu.memory_space<vmem>> -> memref<1x8x1024xf32, #tpu.memory_space<vmem>>
      %dma_wait3A_760 = tpu.memref_squeeze %dma_wait3A_759 : memref<1x8x1024xf32, #tpu.memory_space<vmem>> -> memref<8x1024xf32, #tpu.memory_space<vmem>>
      tpu.wait_dma2 semaphore(%arg20 : memref<!tpu.dma_semaphore, #tpu.memory_space<semaphore_mem>>) src(%dma_wait3A_760 : memref<8x1024xf32, #tpu.memory_space<vmem>>) dst(%dma_wait3A_756 : memref<8x1024xf32, #tpu.memory_space<hbm>>)
      %add3A_761 = arith.constant 4 : i32
      %add3A_762 = arith.addi %add3A_719, %add3A_761 : i32
      %mul3A_763 = arith.constant 8 : i32
      %mul3A_764 = arith.muli %add3A_762, %mul3A_763 : i32
      %dma_start3A_765 = arith.constant 0 : i32
      %dma_start3A_766 = arith.constant 0 : i32
      %dma_start3A_767 = tpu.memref_slice %arg6[%scan3A_203, %dma_start3A_765, %dma_start3A_766] : memref<8x8x1024xf32, #tpu.memory_space<vmem>> -> memref<1x8x1024xf32, #tpu.memory_space<vmem>>
      %dma_start3A_768 = tpu.memref_squeeze %dma_start3A_767 : memref<1x8x1024xf32, #tpu.memory_space<vmem>> -> memref<8x1024xf32, #tpu.memory_space<vmem>>
      %dma_start3A_769 = tpu.memref_slice %arg5[%mul3A_764] : memref<1024xi32, #tpu.memory_space<vmem>> -> memref<8xi32, #tpu.memory_space<vmem>>
      %dma_start3A_770 = arith.constant 0 : i32
      %dma_start3A_771 = arith.constant 0 : i32
      %dma_start3A_772 = tpu.memref_slice %arg3[%dma_start3A_770, %dma_start3A_771] : memref<8192x1024xf32, #tpu.memory_space<hbm>> -> memref<8192x1024xf32, #tpu.memory_space<hbm>>
      tpu.enqueue_indirect_dma source(%dma_start3A_772 : memref<8192x1024xf32, #tpu.memory_space<hbm>>) target(%dma_start3A_768 : memref<8x1024xf32, #tpu.memory_space<vmem>>) offsets(%dma_start3A_769 : memref<8xi32, #tpu.memory_space<vmem>>) semaphore(%arg12 : memref<!tpu.dma_semaphore, #tpu.memory_space<semaphore_mem>>)
      %add3A_773 = arith.constant 6 : i32
      %add3A_774 = arith.addi %add3A_442, %add3A_773 : i32
      %dma_wait3A_775 = arith.constant 0 : i32
      %dma_wait3A_776 = arith.constant 0 : i32
      %dma_wait3A_777 = tpu.memref_slice %arg6[%scan3A_206, %dma_wait3A_775, %dma_wait3A_776] : memref<8x8x1024xf32, #tpu.memory_space<vmem>> -> memref<1x8x1024xf32, #tpu.memory_space<vmem>>
      %dma_wait3A_778 = tpu.memref_squeeze %dma_wait3A_777 : memref<1x8x1024xf32, #tpu.memory_space<vmem>> -> memref<8x1024xf32, #tpu.memory_space<vmem>>
      %dma_wait3A_779 = arith.constant 0 : i32
      %dma_wait3A_780 = arith.constant 0 : i32
      %dma_wait3A_781 = tpu.memref_slice %arg3[%dma_wait3A_779, %dma_wait3A_780] : memref<8192x1024xf32, #tpu.memory_space<hbm>> -> memref<8x1024xf32, #tpu.memory_space<hbm>>
      %dma_wait3A_782 = arith.constant 0 : i32
      %dma_wait3A_783 = arith.constant 0 : i32
      %dma_wait3A_784 = tpu.memref_slice %arg6[%scan3A_206, %dma_wait3A_782, %dma_wait3A_783] : memref<8x8x1024xf32, #tpu.memory_space<vmem>> -> memref<1x8x1024xf32, #tpu.memory_space<vmem>>
      %dma_wait3A_785 = tpu.memref_squeeze %dma_wait3A_784 : memref<1x8x1024xf32, #tpu.memory_space<vmem>> -> memref<8x1024xf32, #tpu.memory_space<vmem>>
      %dma_wait3A_786 = arith.constant 0 : i32
      %dma_wait3A_787 = arith.constant 0 : i32
      %dma_wait3A_788 = tpu.memref_slice %arg3[%dma_wait3A_786, %dma_wait3A_787] : memref<8192x1024xf32, #tpu.memory_space<hbm>> -> memref<8x1024xf32, #tpu.memory_space<hbm>>
      tpu.wait_dma2 semaphore(%arg9 : memref<!tpu.dma_semaphore, #tpu.memory_space<semaphore_mem>>) src(%dma_wait3A_788 : memref<8x1024xf32, #tpu.memory_space<hbm>>) dst(%dma_wait3A_785 : memref<8x1024xf32, #tpu.memory_space<vmem>>)
      %mul3A_789 = arith.constant 8 : i32
      %mul3A_790 = arith.muli %add3A_774, %mul3A_789 : i32
      %add3A_791 = arith.addi %mul3A_2, %mul3A_790 : i32
      %dma_start3A_792 = arith.constant 0 : i32
      %dma_start3A_793 = arith.constant 0 : i32
      %dma_start3A_794 = tpu.memref_slice %arg6[%scan3A_206, %dma_start3A_792, %dma_start3A_793] : memref<8x8x1024xf32, #tpu.memory_space<vmem>> -> memref<1x8x1024xf32, #tpu.memory_space<vmem>>
      %dma_start3A_795 = tpu.memref_squeeze %dma_start3A_794 : memref<1x8x1024xf32, #tpu.memory_space<vmem>> -> memref<8x1024xf32, #tpu.memory_space<vmem>>
      %dma_start3A_796 = arith.constant 0 : i32
      %dma_start3A_797 = tpu.memref_slice %arg4[%add3A_791, %dma_start3A_796] : memref<32768x1024xf32, #tpu.memory_space<hbm>> -> memref<8x1024xf32, #tpu.memory_space<hbm>>
      %dma_start3A_798 = arith.constant 0 : i32
      %dma_start3A_799 = tpu.memref_slice %arg4[%add3A_791, %dma_start3A_798] : memref<32768x1024xf32, #tpu.memory_space<hbm>> -> memref<8x1024xf32, #tpu.memory_space<hbm>>
      %dma_start3A_800 = arith.constant 0 : i32
      %dma_start3A_801 = arith.constant 0 : i32
      %dma_start3A_802 = tpu.memref_slice %arg6[%scan3A_206, %dma_start3A_800, %dma_start3A_801] : memref<8x8x1024xf32, #tpu.memory_space<vmem>> -> memref<1x8x1024xf32, #tpu.memory_space<vmem>>
      %dma_start3A_803 = tpu.memref_squeeze %dma_start3A_802 : memref<1x8x1024xf32, #tpu.memory_space<vmem>> -> memref<8x1024xf32, #tpu.memory_space<vmem>>
      tpu.enqueue_dma source(%dma_start3A_803 : memref<8x1024xf32, #tpu.memory_space<vmem>>) target(%dma_start3A_799 : memref<8x1024xf32, #tpu.memory_space<hbm>>) target_semaphore(%arg17 : memref<!tpu.dma_semaphore, #tpu.memory_space<semaphore_mem>>)
      %dma_wait3A_804 = arith.constant 0 : i32
      %dma_wait3A_805 = arith.constant 0 : i32
      %dma_wait3A_806 = tpu.memref_slice %arg6[%scan3A_205, %dma_wait3A_804, %dma_wait3A_805] : memref<8x8x1024xf32, #tpu.memory_space<vmem>> -> memref<1x8x1024xf32, #tpu.memory_space<vmem>>
      %dma_wait3A_807 = tpu.memref_squeeze %dma_wait3A_806 : memref<1x8x1024xf32, #tpu.memory_space<vmem>> -> memref<8x1024xf32, #tpu.memory_space<vmem>>
      %dma_wait3A_808 = arith.constant 0 : i32
      %dma_wait3A_809 = tpu.memref_slice %arg4[%mul3A_2, %dma_wait3A_808] : memref<32768x1024xf32, #tpu.memory_space<hbm>> -> memref<8x1024xf32, #tpu.memory_space<hbm>>
      %dma_wait3A_810 = arith.constant 0 : i32
      %dma_wait3A_811 = tpu.memref_slice %arg4[%mul3A_2, %dma_wait3A_810] : memref<32768x1024xf32, #tpu.memory_space<hbm>> -> memref<8x1024xf32, #tpu.memory_space<hbm>>
      %dma_wait3A_812 = arith.constant 0 : i32
      %dma_wait3A_813 = arith.constant 0 : i32
      %dma_wait3A_814 = tpu.memref_slice %arg6[%scan3A_205, %dma_wait3A_812, %dma_wait3A_813] : memref<8x8x1024xf32, #tpu.memory_space<vmem>> -> memref<1x8x1024xf32, #tpu.memory_space<vmem>>
      %dma_wait3A_815 = tpu.memref_squeeze %dma_wait3A_814 : memref<1x8x1024xf32, #tpu.memory_space<vmem>> -> memref<8x1024xf32, #tpu.memory_space<vmem>>
      tpu.wait_dma2 semaphore(%arg21 : memref<!tpu.dma_semaphore, #tpu.memory_space<semaphore_mem>>) src(%dma_wait3A_815 : memref<8x1024xf32, #tpu.memory_space<vmem>>) dst(%dma_wait3A_811 : memref<8x1024xf32, #tpu.memory_space<hbm>>)
      %add3A_816 = arith.constant 4 : i32
      %add3A_817 = arith.addi %add3A_774, %add3A_816 : i32
      %mul3A_818 = arith.constant 8 : i32
      %mul3A_819 = arith.muli %add3A_817, %mul3A_818 : i32
      %dma_start3A_820 = arith.constant 0 : i32
      %dma_start3A_821 = arith.constant 0 : i32
      %dma_start3A_822 = tpu.memref_slice %arg6[%scan3A_205, %dma_start3A_820, %dma_start3A_821] : memref<8x8x1024xf32, #tpu.memory_space<vmem>> -> memref<1x8x1024xf32, #tpu.memory_space<vmem>>
      %dma_start3A_823 = tpu.memref_squeeze %dma_start3A_822 : memref<1x8x1024xf32, #tpu.memory_space<vmem>> -> memref<8x1024xf32, #tpu.memory_space<vmem>>
      %dma_start3A_824 = tpu.memref_slice %arg5[%mul3A_819] : memref<1024xi32, #tpu.memory_space<vmem>> -> memref<8xi32, #tpu.memory_space<vmem>>
      %dma_start3A_825 = arith.constant 0 : i32
      %dma_start3A_826 = arith.constant 0 : i32
      %dma_start3A_827 = tpu.memref_slice %arg3[%dma_start3A_825, %dma_start3A_826] : memref<8192x1024xf32, #tpu.memory_space<hbm>> -> memref<8192x1024xf32, #tpu.memory_space<hbm>>
      tpu.enqueue_indirect_dma source(%dma_start3A_827 : memref<8192x1024xf32, #tpu.memory_space<hbm>>) target(%dma_start3A_823 : memref<8x1024xf32, #tpu.memory_space<vmem>>) offsets(%dma_start3A_824 : memref<8xi32, #tpu.memory_space<vmem>>) semaphore(%arg13 : memref<!tpu.dma_semaphore, #tpu.memory_space<semaphore_mem>>)
      %add3A_828 = arith.constant 7 : i32
      %add3A_829 = arith.addi %add3A_442, %add3A_828 : i32
      %dma_wait3A_830 = arith.constant 0 : i32
      %dma_wait3A_831 = arith.constant 0 : i32
      %dma_wait3A_832 = tpu.memref_slice %arg6[%scan3A_208, %dma_wait3A_830, %dma_wait3A_831] : memref<8x8x1024xf32, #tpu.memory_space<vmem>> -> memref<1x8x1024xf32, #tpu.memory_space<vmem>>
      %dma_wait3A_833 = tpu.memref_squeeze %dma_wait3A_832 : memref<1x8x1024xf32, #tpu.memory_space<vmem>> -> memref<8x1024xf32, #tpu.memory_space<vmem>>
      %dma_wait3A_834 = arith.constant 0 : i32
      %dma_wait3A_835 = arith.constant 0 : i32
      %dma_wait3A_836 = tpu.memref_slice %arg3[%dma_wait3A_834, %dma_wait3A_835] : memref<8192x1024xf32, #tpu.memory_space<hbm>> -> memref<8x1024xf32, #tpu.memory_space<hbm>>
      %dma_wait3A_837 = arith.constant 0 : i32
      %dma_wait3A_838 = arith.constant 0 : i32
      %dma_wait3A_839 = tpu.memref_slice %arg6[%scan3A_208, %dma_wait3A_837, %dma_wait3A_838] : memref<8x8x1024xf32, #tpu.memory_space<vmem>> -> memref<1x8x1024xf32, #tpu.memory_space<vmem>>
      %dma_wait3A_840 = tpu.memref_squeeze %dma_wait3A_839 : memref<1x8x1024xf32, #tpu.memory_space<vmem>> -> memref<8x1024xf32, #tpu.memory_space<vmem>>
      %dma_wait3A_841 = arith.constant 0 : i32
      %dma_wait3A_842 = arith.constant 0 : i32
      %dma_wait3A_843 = tpu.memref_slice %arg3[%dma_wait3A_841, %dma_wait3A_842] : memref<8192x1024xf32, #tpu.memory_space<hbm>> -> memref<8x1024xf32, #tpu.memory_space<hbm>>
      tpu.wait_dma2 semaphore(%arg10 : memref<!tpu.dma_semaphore, #tpu.memory_space<semaphore_mem>>) src(%dma_wait3A_843 : memref<8x1024xf32, #tpu.memory_space<hbm>>) dst(%dma_wait3A_840 : memref<8x1024xf32, #tpu.memory_space<vmem>>)
      %mul3A_844 = arith.constant 8 : i32
      %mul3A_845 = arith.muli %add3A_829, %mul3A_844 : i32
      %add3A_846 = arith.addi %mul3A_2, %mul3A_845 : i32
      %dma_start3A_847 = arith.constant 0 : i32
      %dma_start3A_848 = arith.constant 0 : i32
      %dma_start3A_849 = tpu.memref_slice %arg6[%scan3A_208, %dma_start3A_847, %dma_start3A_848] : memref<8x8x1024xf32, #tpu.memory_space<vmem>> -> memref<1x8x1024xf32, #tpu.memory_space<vmem>>
      %dma_start3A_850 = tpu.memref_squeeze %dma_start3A_849 : memref<1x8x1024xf32, #tpu.memory_space<vmem>> -> memref<8x1024xf32, #tpu.memory_space<vmem>>
      %dma_start3A_851 = arith.constant 0 : i32
      %dma_start3A_852 = tpu.memref_slice %arg4[%add3A_846, %dma_start3A_851] : memref<32768x1024xf32, #tpu.memory_space<hbm>> -> memref<8x1024xf32, #tpu.memory_space<hbm>>
      %dma_start3A_853 = arith.constant 0 : i32
      %dma_start3A_854 = tpu.memref_slice %arg4[%add3A_846, %dma_start3A_853] : memref<32768x1024xf32, #tpu.memory_space<hbm>> -> memref<8x1024xf32, #tpu.memory_space<hbm>>
      %dma_start3A_855 = arith.constant 0 : i32
      %dma_start3A_856 = arith.constant 0 : i32
      %dma_start3A_857 = tpu.memref_slice %arg6[%scan3A_208, %dma_start3A_855, %dma_start3A_856] : memref<8x8x1024xf32, #tpu.memory_space<vmem>> -> memref<1x8x1024xf32, #tpu.memory_space<vmem>>
      %dma_start3A_858 = tpu.memref_squeeze %dma_start3A_857 : memref<1x8x1024xf32, #tpu.memory_space<vmem>> -> memref<8x1024xf32, #tpu.memory_space<vmem>>
      tpu.enqueue_dma source(%dma_start3A_858 : memref<8x1024xf32, #tpu.memory_space<vmem>>) target(%dma_start3A_854 : memref<8x1024xf32, #tpu.memory_space<hbm>>) target_semaphore(%arg18 : memref<!tpu.dma_semaphore, #tpu.memory_space<semaphore_mem>>)
      %dma_wait3A_859 = arith.constant 0 : i32
      %dma_wait3A_860 = arith.constant 0 : i32
      %dma_wait3A_861 = tpu.memref_slice %arg6[%scan3A_207, %dma_wait3A_859, %dma_wait3A_860] : memref<8x8x1024xf32, #tpu.memory_space<vmem>> -> memref<1x8x1024xf32, #tpu.memory_space<vmem>>
      %dma_wait3A_862 = tpu.memref_squeeze %dma_wait3A_861 : memref<1x8x1024xf32, #tpu.memory_space<vmem>> -> memref<8x1024xf32, #tpu.memory_space<vmem>>
      %dma_wait3A_863 = arith.constant 0 : i32
      %dma_wait3A_864 = tpu.memref_slice %arg4[%mul3A_2, %dma_wait3A_863] : memref<32768x1024xf32, #tpu.memory_space<hbm>> -> memref<8x1024xf32, #tpu.memory_space<hbm>>
      %dma_wait3A_865 = arith.constant 0 : i32
      %dma_wait3A_866 = tpu.memref_slice %arg4[%mul3A_2, %dma_wait3A_865] : memref<32768x1024xf32, #tpu.memory_space<hbm>> -> memref<8x1024xf32, #tpu.memory_space<hbm>>
      %dma_wait3A_867 = arith.constant 0 : i32
      %dma_wait3A_868 = arith.constant 0 : i32
      %dma_wait3A_869 = tpu.memref_slice %arg6[%scan3A_207, %dma_wait3A_867, %dma_wait3A_868] : memref<8x8x1024xf32, #tpu.memory_space<vmem>> -> memref<1x8x1024xf32, #tpu.memory_space<vmem>>
      %dma_wait3A_870 = tpu.memref_squeeze %dma_wait3A_869 : memref<1x8x1024xf32, #tpu.memory_space<vmem>> -> memref<8x1024xf32, #tpu.memory_space<vmem>>
      tpu.wait_dma2 semaphore(%arg22 : memref<!tpu.dma_semaphore, #tpu.memory_space<semaphore_mem>>) src(%dma_wait3A_870 : memref<8x1024xf32, #tpu.memory_space<vmem>>) dst(%dma_wait3A_866 : memref<8x1024xf32, #tpu.memory_space<hbm>>)
      %add3A_871 = arith.constant 4 : i32
      %add3A_872 = arith.addi %add3A_829, %add3A_871 : i32
      %mul3A_873 = arith.constant 8 : i32
      %mul3A_874 = arith.muli %add3A_872, %mul3A_873 : i32
      %dma_start3A_875 = arith.constant 0 : i32
      %dma_start3A_876 = arith.constant 0 : i32
      %dma_start3A_877 = tpu.memref_slice %arg6[%scan3A_207, %dma_start3A_875, %dma_start3A_876] : memref<8x8x1024xf32, #tpu.memory_space<vmem>> -> memref<1x8x1024xf32, #tpu.memory_space<vmem>>
      %dma_start3A_878 = tpu.memref_squeeze %dma_start3A_877 : memref<1x8x1024xf32, #tpu.memory_space<vmem>> -> memref<8x1024xf32, #tpu.memory_space<vmem>>
      %dma_start3A_879 = tpu.memref_slice %arg5[%mul3A_874] : memref<1024xi32, #tpu.memory_space<vmem>> -> memref<8xi32, #tpu.memory_space<vmem>>
      %dma_start3A_880 = arith.constant 0 : i32
      %dma_start3A_881 = arith.constant 0 : i32
      %dma_start3A_882 = tpu.memref_slice %arg3[%dma_start3A_880, %dma_start3A_881] : memref<8192x1024xf32, #tpu.memory_space<hbm>> -> memref<8192x1024xf32, #tpu.memory_space<hbm>>
      tpu.enqueue_indirect_dma source(%dma_start3A_882 : memref<8192x1024xf32, #tpu.memory_space<hbm>>) target(%dma_start3A_878 : memref<8x1024xf32, #tpu.memory_space<vmem>>) offsets(%dma_start3A_879 : memref<8xi32, #tpu.memory_space<vmem>>) semaphore(%arg14 : memref<!tpu.dma_semaphore, #tpu.memory_space<semaphore_mem>>)
    }
    %scan3A_213 = arith.constant 15 : i32
    %dma_wait3A_214 = arith.constant 4 : i32
    %dma_wait3A_215 = arith.constant 0 : i32
    %dma_wait3A_216 = arith.constant 0 : i32
    %dma_wait3A_217 = tpu.memref_slice %arg6[%dma_wait3A_214, %dma_wait3A_215, %dma_wait3A_216] : memref<8x8x1024xf32, #tpu.memory_space<vmem>> -> memref<1x8x1024xf32, #tpu.memory_space<vmem>>
    %dma_wait3A_218 = tpu.memref_squeeze %dma_wait3A_217 : memref<1x8x1024xf32, #tpu.memory_space<vmem>> -> memref<8x1024xf32, #tpu.memory_space<vmem>>
    %dma_wait3A_219 = arith.constant 0 : i32
    %dma_wait3A_220 = arith.constant 0 : i32
    %dma_wait3A_221 = tpu.memref_slice %arg3[%dma_wait3A_219, %dma_wait3A_220] : memref<8192x1024xf32, #tpu.memory_space<hbm>> -> memref<8x1024xf32, #tpu.memory_space<hbm>>
    %dma_wait3A_222 = arith.constant 0 : i32
    %dma_wait3A_223 = arith.constant 0 : i32
    %dma_wait3A_224 = tpu.memref_slice %arg6[%dma_wait3A_214, %dma_wait3A_222, %dma_wait3A_223] : memref<8x8x1024xf32, #tpu.memory_space<vmem>> -> memref<1x8x1024xf32, #tpu.memory_space<vmem>>
    %dma_wait3A_225 = tpu.memref_squeeze %dma_wait3A_224 : memref<1x8x1024xf32, #tpu.memory_space<vmem>> -> memref<8x1024xf32, #tpu.memory_space<vmem>>
    %dma_wait3A_226 = arith.constant 0 : i32
    %dma_wait3A_227 = arith.constant 0 : i32
    %dma_wait3A_228 = tpu.memref_slice %arg3[%dma_wait3A_226, %dma_wait3A_227] : memref<8192x1024xf32, #tpu.memory_space<hbm>> -> memref<8x1024xf32, #tpu.memory_space<hbm>>
    tpu.wait_dma2 semaphore(%arg11 : memref<!tpu.dma_semaphore, #tpu.memory_space<semaphore_mem>>) src(%dma_wait3A_228 : memref<8x1024xf32, #tpu.memory_space<hbm>>) dst(%dma_wait3A_225 : memref<8x1024xf32, #tpu.memory_space<vmem>>)
    %add3A_229 = arith.constant 992 : i32
    %add3A_230 = arith.addi %mul3A_2, %add3A_229 : i32
    %dma_start3A_231 = arith.constant 4 : i32
    %dma_start3A_232 = arith.constant 0 : i32
    %dma_start3A_233 = arith.constant 0 : i32
    %dma_start3A_234 = tpu.memref_slice %arg6[%dma_start3A_231, %dma_start3A_232, %dma_start3A_233] : memref<8x8x1024xf32, #tpu.memory_space<vmem>> -> memref<1x8x1024xf32, #tpu.memory_space<vmem>>
    %dma_start3A_235 = tpu.memref_squeeze %dma_start3A_234 : memref<1x8x1024xf32, #tpu.memory_space<vmem>> -> memref<8x1024xf32, #tpu.memory_space<vmem>>
    %dma_start3A_236 = arith.constant 0 : i32
    %dma_start3A_237 = tpu.memref_slice %arg4[%add3A_230, %dma_start3A_236] : memref<32768x1024xf32, #tpu.memory_space<hbm>> -> memref<8x1024xf32, #tpu.memory_space<hbm>>
    %dma_start3A_238 = arith.constant 0 : i32
    %dma_start3A_239 = tpu.memref_slice %arg4[%add3A_230, %dma_start3A_238] : memref<32768x1024xf32, #tpu.memory_space<hbm>> -> memref<8x1024xf32, #tpu.memory_space<hbm>>
    %dma_start3A_240 = arith.constant 0 : i32
    %dma_start3A_241 = arith.constant 0 : i32
    %dma_start3A_242 = tpu.memref_slice %arg6[%dma_start3A_231, %dma_start3A_240, %dma_start3A_241] : memref<8x8x1024xf32, #tpu.memory_space<vmem>> -> memref<1x8x1024xf32, #tpu.memory_space<vmem>>
    %dma_start3A_243 = tpu.memref_squeeze %dma_start3A_242 : memref<1x8x1024xf32, #tpu.memory_space<vmem>> -> memref<8x1024xf32, #tpu.memory_space<vmem>>
    tpu.enqueue_dma source(%dma_start3A_243 : memref<8x1024xf32, #tpu.memory_space<vmem>>) target(%dma_start3A_239 : memref<8x1024xf32, #tpu.memory_space<hbm>>) target_semaphore(%arg19 : memref<!tpu.dma_semaphore, #tpu.memory_space<semaphore_mem>>)
    %dma_wait3A_244 = arith.constant 5 : i32
    %dma_wait3A_245 = arith.constant 0 : i32
    %dma_wait3A_246 = arith.constant 0 : i32
    %dma_wait3A_247 = tpu.memref_slice %arg6[%dma_wait3A_244, %dma_wait3A_245, %dma_wait3A_246] : memref<8x8x1024xf32, #tpu.memory_space<vmem>> -> memref<1x8x1024xf32, #tpu.memory_space<vmem>>
    %dma_wait3A_248 = tpu.memref_squeeze %dma_wait3A_247 : memref<1x8x1024xf32, #tpu.memory_space<vmem>> -> memref<8x1024xf32, #tpu.memory_space<vmem>>
    %dma_wait3A_249 = arith.constant 0 : i32
    %dma_wait3A_250 = arith.constant 0 : i32
    %dma_wait3A_251 = tpu.memref_slice %arg3[%dma_wait3A_249, %dma_wait3A_250] : memref<8192x1024xf32, #tpu.memory_space<hbm>> -> memref<8x1024xf32, #tpu.memory_space<hbm>>
    %dma_wait3A_252 = arith.constant 0 : i32
    %dma_wait3A_253 = arith.constant 0 : i32
    %dma_wait3A_254 = tpu.memref_slice %arg6[%dma_wait3A_244, %dma_wait3A_252, %dma_wait3A_253] : memref<8x8x1024xf32, #tpu.memory_space<vmem>> -> memref<1x8x1024xf32, #tpu.memory_space<vmem>>
    %dma_wait3A_255 = tpu.memref_squeeze %dma_wait3A_254 : memref<1x8x1024xf32, #tpu.memory_space<vmem>> -> memref<8x1024xf32, #tpu.memory_space<vmem>>
    %dma_wait3A_256 = arith.constant 0 : i32
    %dma_wait3A_257 = arith.constant 0 : i32
    %dma_wait3A_258 = tpu.memref_slice %arg3[%dma_wait3A_256, %dma_wait3A_257] : memref<8192x1024xf32, #tpu.memory_space<hbm>> -> memref<8x1024xf32, #tpu.memory_space<hbm>>
    tpu.wait_dma2 semaphore(%arg12 : memref<!tpu.dma_semaphore, #tpu.memory_space<semaphore_mem>>) src(%dma_wait3A_258 : memref<8x1024xf32, #tpu.memory_space<hbm>>) dst(%dma_wait3A_255 : memref<8x1024xf32, #tpu.memory_space<vmem>>)
    %add3A_259 = arith.constant 1000 : i32
    %add3A_260 = arith.addi %mul3A_2, %add3A_259 : i32
    %dma_start3A_261 = arith.constant 5 : i32
    %dma_start3A_262 = arith.constant 0 : i32
    %dma_start3A_263 = arith.constant 0 : i32
    %dma_start3A_264 = tpu.memref_slice %arg6[%dma_start3A_261, %dma_start3A_262, %dma_start3A_263] : memref<8x8x1024xf32, #tpu.memory_space<vmem>> -> memref<1x8x1024xf32, #tpu.memory_space<vmem>>
    %dma_start3A_265 = tpu.memref_squeeze %dma_start3A_264 : memref<1x8x1024xf32, #tpu.memory_space<vmem>> -> memref<8x1024xf32, #tpu.memory_space<vmem>>
    %dma_start3A_266 = arith.constant 0 : i32
    %dma_start3A_267 = tpu.memref_slice %arg4[%add3A_260, %dma_start3A_266] : memref<32768x1024xf32, #tpu.memory_space<hbm>> -> memref<8x1024xf32, #tpu.memory_space<hbm>>
    %dma_start3A_268 = arith.constant 0 : i32
    %dma_start3A_269 = tpu.memref_slice %arg4[%add3A_260, %dma_start3A_268] : memref<32768x1024xf32, #tpu.memory_space<hbm>> -> memref<8x1024xf32, #tpu.memory_space<hbm>>
    %dma_start3A_270 = arith.constant 0 : i32
    %dma_start3A_271 = arith.constant 0 : i32
    %dma_start3A_272 = tpu.memref_slice %arg6[%dma_start3A_261, %dma_start3A_270, %dma_start3A_271] : memref<8x8x1024xf32, #tpu.memory_space<vmem>> -> memref<1x8x1024xf32, #tpu.memory_space<vmem>>
    %dma_start3A_273 = tpu.memref_squeeze %dma_start3A_272 : memref<1x8x1024xf32, #tpu.memory_space<vmem>> -> memref<8x1024xf32, #tpu.memory_space<vmem>>
    tpu.enqueue_dma source(%dma_start3A_273 : memref<8x1024xf32, #tpu.memory_space<vmem>>) target(%dma_start3A_269 : memref<8x1024xf32, #tpu.memory_space<hbm>>) target_semaphore(%arg20 : memref<!tpu.dma_semaphore, #tpu.memory_space<semaphore_mem>>)
    %dma_wait3A_274 = arith.constant 6 : i32
    %dma_wait3A_275 = arith.constant 0 : i32
    %dma_wait3A_276 = arith.constant 0 : i32
    %dma_wait3A_277 = tpu.memref_slice %arg6[%dma_wait3A_274, %dma_wait3A_275, %dma_wait3A_276] : memref<8x8x1024xf32, #tpu.memory_space<vmem>> -> memref<1x8x1024xf32, #tpu.memory_space<vmem>>
    %dma_wait3A_278 = tpu.memref_squeeze %dma_wait3A_277 : memref<1x8x1024xf32, #tpu.memory_space<vmem>> -> memref<8x1024xf32, #tpu.memory_space<vmem>>
    %dma_wait3A_279 = arith.constant 0 : i32
    %dma_wait3A_280 = arith.constant 0 : i32
    %dma_wait3A_281 = tpu.memref_slice %arg3[%dma_wait3A_279, %dma_wait3A_280] : memref<8192x1024xf32, #tpu.memory_space<hbm>> -> memref<8x1024xf32, #tpu.memory_space<hbm>>
    %dma_wait3A_282 = arith.constant 0 : i32
    %dma_wait3A_283 = arith.constant 0 : i32
    %dma_wait3A_284 = tpu.memref_slice %arg6[%dma_wait3A_274, %dma_wait3A_282, %dma_wait3A_283] : memref<8x8x1024xf32, #tpu.memory_space<vmem>> -> memref<1x8x1024xf32, #tpu.memory_space<vmem>>
    %dma_wait3A_285 = tpu.memref_squeeze %dma_wait3A_284 : memref<1x8x1024xf32, #tpu.memory_space<vmem>> -> memref<8x1024xf32, #tpu.memory_space<vmem>>
    %dma_wait3A_286 = arith.constant 0 : i32
    %dma_wait3A_287 = arith.constant 0 : i32
    %dma_wait3A_288 = tpu.memref_slice %arg3[%dma_wait3A_286, %dma_wait3A_287] : memref<8192x1024xf32, #tpu.memory_space<hbm>> -> memref<8x1024xf32, #tpu.memory_space<hbm>>
    tpu.wait_dma2 semaphore(%arg13 : memref<!tpu.dma_semaphore, #tpu.memory_space<semaphore_mem>>) src(%dma_wait3A_288 : memref<8x1024xf32, #tpu.memory_space<hbm>>) dst(%dma_wait3A_285 : memref<8x1024xf32, #tpu.memory_space<vmem>>)
    %add3A_289 = arith.constant 1008 : i32
    %add3A_290 = arith.addi %mul3A_2, %add3A_289 : i32
    %dma_start3A_291 = arith.constant 6 : i32
    %dma_start3A_292 = arith.constant 0 : i32
    %dma_start3A_293 = arith.constant 0 : i32
    %dma_start3A_294 = tpu.memref_slice %arg6[%dma_start3A_291, %dma_start3A_292, %dma_start3A_293] : memref<8x8x1024xf32, #tpu.memory_space<vmem>> -> memref<1x8x1024xf32, #tpu.memory_space<vmem>>
    %dma_start3A_295 = tpu.memref_squeeze %dma_start3A_294 : memref<1x8x1024xf32, #tpu.memory_space<vmem>> -> memref<8x1024xf32, #tpu.memory_space<vmem>>
    %dma_start3A_296 = arith.constant 0 : i32
    %dma_start3A_297 = tpu.memref_slice %arg4[%add3A_290, %dma_start3A_296] : memref<32768x1024xf32, #tpu.memory_space<hbm>> -> memref<8x1024xf32, #tpu.memory_space<hbm>>
    %dma_start3A_298 = arith.constant 0 : i32
    %dma_start3A_299 = tpu.memref_slice %arg4[%add3A_290, %dma_start3A_298] : memref<32768x1024xf32, #tpu.memory_space<hbm>> -> memref<8x1024xf32, #tpu.memory_space<hbm>>
    %dma_start3A_300 = arith.constant 0 : i32
    %dma_start3A_301 = arith.constant 0 : i32
    %dma_start3A_302 = tpu.memref_slice %arg6[%dma_start3A_291, %dma_start3A_300, %dma_start3A_301] : memref<8x8x1024xf32, #tpu.memory_space<vmem>> -> memref<1x8x1024xf32, #tpu.memory_space<vmem>>
    %dma_start3A_303 = tpu.memref_squeeze %dma_start3A_302 : memref<1x8x1024xf32, #tpu.memory_space<vmem>> -> memref<8x1024xf32, #tpu.memory_space<vmem>>
    tpu.enqueue_dma source(%dma_start3A_303 : memref<8x1024xf32, #tpu.memory_space<vmem>>) target(%dma_start3A_299 : memref<8x1024xf32, #tpu.memory_space<hbm>>) target_semaphore(%arg21 : memref<!tpu.dma_semaphore, #tpu.memory_space<semaphore_mem>>)
    %dma_wait3A_304 = arith.constant 7 : i32
    %dma_wait3A_305 = arith.constant 0 : i32
    %dma_wait3A_306 = arith.constant 0 : i32
    %dma_wait3A_307 = tpu.memref_slice %arg6[%dma_wait3A_304, %dma_wait3A_305, %dma_wait3A_306] : memref<8x8x1024xf32, #tpu.memory_space<vmem>> -> memref<1x8x1024xf32, #tpu.memory_space<vmem>>
    %dma_wait3A_308 = tpu.memref_squeeze %dma_wait3A_307 : memref<1x8x1024xf32, #tpu.memory_space<vmem>> -> memref<8x1024xf32, #tpu.memory_space<vmem>>
    %dma_wait3A_309 = arith.constant 0 : i32
    %dma_wait3A_310 = arith.constant 0 : i32
    %dma_wait3A_311 = tpu.memref_slice %arg3[%dma_wait3A_309, %dma_wait3A_310] : memref<8192x1024xf32, #tpu.memory_space<hbm>> -> memref<8x1024xf32, #tpu.memory_space<hbm>>
    %dma_wait3A_312 = arith.constant 0 : i32
    %dma_wait3A_313 = arith.constant 0 : i32
    %dma_wait3A_314 = tpu.memref_slice %arg6[%dma_wait3A_304, %dma_wait3A_312, %dma_wait3A_313] : memref<8x8x1024xf32, #tpu.memory_space<vmem>> -> memref<1x8x1024xf32, #tpu.memory_space<vmem>>
    %dma_wait3A_315 = tpu.memref_squeeze %dma_wait3A_314 : memref<1x8x1024xf32, #tpu.memory_space<vmem>> -> memref<8x1024xf32, #tpu.memory_space<vmem>>
    %dma_wait3A_316 = arith.constant 0 : i32
    %dma_wait3A_317 = arith.constant 0 : i32
    %dma_wait3A_318 = tpu.memref_slice %arg3[%dma_wait3A_316, %dma_wait3A_317] : memref<8192x1024xf32, #tpu.memory_space<hbm>> -> memref<8x1024xf32, #tpu.memory_space<hbm>>
    tpu.wait_dma2 semaphore(%arg14 : memref<!tpu.dma_semaphore, #tpu.memory_space<semaphore_mem>>) src(%dma_wait3A_318 : memref<8x1024xf32, #tpu.memory_space<hbm>>) dst(%dma_wait3A_315 : memref<8x1024xf32, #tpu.memory_space<vmem>>)
    %add3A_319 = arith.constant 1016 : i32
    %add3A_320 = arith.addi %mul3A_2, %add3A_319 : i32
    %dma_start3A_321 = arith.constant 7 : i32
    %dma_start3A_322 = arith.constant 0 : i32
    %dma_start3A_323 = arith.constant 0 : i32
    %dma_start3A_324 = tpu.memref_slice %arg6[%dma_start3A_321, %dma_start3A_322, %dma_start3A_323] : memref<8x8x1024xf32, #tpu.memory_space<vmem>> -> memref<1x8x1024xf32, #tpu.memory_space<vmem>>
    %dma_start3A_325 = tpu.memref_squeeze %dma_start3A_324 : memref<1x8x1024xf32, #tpu.memory_space<vmem>> -> memref<8x1024xf32, #tpu.memory_space<vmem>>
    %dma_start3A_326 = arith.constant 0 : i32
    %dma_start3A_327 = tpu.memref_slice %arg4[%add3A_320, %dma_start3A_326] : memref<32768x1024xf32, #tpu.memory_space<hbm>> -> memref<8x1024xf32, #tpu.memory_space<hbm>>
    %dma_start3A_328 = arith.constant 0 : i32
    %dma_start3A_329 = tpu.memref_slice %arg4[%add3A_320, %dma_start3A_328] : memref<32768x1024xf32, #tpu.memory_space<hbm>> -> memref<8x1024xf32, #tpu.memory_space<hbm>>
    %dma_start3A_330 = arith.constant 0 : i32
    %dma_start3A_331 = arith.constant 0 : i32
    %dma_start3A_332 = tpu.memref_slice %arg6[%dma_start3A_321, %dma_start3A_330, %dma_start3A_331] : memref<8x8x1024xf32, #tpu.memory_space<vmem>> -> memref<1x8x1024xf32, #tpu.memory_space<vmem>>
    %dma_start3A_333 = tpu.memref_squeeze %dma_start3A_332 : memref<1x8x1024xf32, #tpu.memory_space<vmem>> -> memref<8x1024xf32, #tpu.memory_space<vmem>>
    tpu.enqueue_dma source(%dma_start3A_333 : memref<8x1024xf32, #tpu.memory_space<vmem>>) target(%dma_start3A_329 : memref<8x1024xf32, #tpu.memory_space<hbm>>) target_semaphore(%arg22 : memref<!tpu.dma_semaphore, #tpu.memory_space<semaphore_mem>>)
    %dma_wait3A_334 = arith.constant 0 : i32
    %dma_wait3A_335 = arith.constant 0 : i32
    %dma_wait3A_336 = arith.constant 0 : i32
    %dma_wait3A_337 = tpu.memref_slice %arg6[%dma_wait3A_334, %dma_wait3A_335, %dma_wait3A_336] : memref<8x8x1024xf32, #tpu.memory_space<vmem>> -> memref<1x8x1024xf32, #tpu.memory_space<vmem>>
    %dma_wait3A_338 = tpu.memref_squeeze %dma_wait3A_337 : memref<1x8x1024xf32, #tpu.memory_space<vmem>> -> memref<8x1024xf32, #tpu.memory_space<vmem>>
    %dma_wait3A_339 = arith.constant 0 : i32
    %dma_wait3A_340 = tpu.memref_slice %arg4[%mul3A_2, %dma_wait3A_339] : memref<32768x1024xf32, #tpu.memory_space<hbm>> -> memref<8x1024xf32, #tpu.memory_space<hbm>>
    %dma_wait3A_341 = arith.constant 0 : i32
    %dma_wait3A_342 = tpu.memref_slice %arg4[%mul3A_2, %dma_wait3A_341] : memref<32768x1024xf32, #tpu.memory_space<hbm>> -> memref<8x1024xf32, #tpu.memory_space<hbm>>
    %dma_wait3A_343 = arith.constant 0 : i32
    %dma_wait3A_344 = arith.constant 0 : i32
    %dma_wait3A_345 = tpu.memref_slice %arg6[%dma_wait3A_334, %dma_wait3A_343, %dma_wait3A_344] : memref<8x8x1024xf32, #tpu.memory_space<vmem>> -> memref<1x8x1024xf32, #tpu.memory_space<vmem>>
    %dma_wait3A_346 = tpu.memref_squeeze %dma_wait3A_345 : memref<1x8x1024xf32, #tpu.memory_space<vmem>> -> memref<8x1024xf32, #tpu.memory_space<vmem>>
    tpu.wait_dma2 semaphore(%arg15 : memref<!tpu.dma_semaphore, #tpu.memory_space<semaphore_mem>>) src(%dma_wait3A_346 : memref<8x1024xf32, #tpu.memory_space<vmem>>) dst(%dma_wait3A_342 : memref<8x1024xf32, #tpu.memory_space<hbm>>)
    %dma_wait3A_347 = arith.constant 1 : i32
    %dma_wait3A_348 = arith.constant 0 : i32
    %dma_wait3A_349 = arith.constant 0 : i32
    %dma_wait3A_350 = tpu.memref_slice %arg6[%dma_wait3A_347, %dma_wait3A_348, %dma_wait3A_349] : memref<8x8x1024xf32, #tpu.memory_space<vmem>> -> memref<1x8x1024xf32, #tpu.memory_space<vmem>>
    %dma_wait3A_351 = tpu.memref_squeeze %dma_wait3A_350 : memref<1x8x1024xf32, #tpu.memory_space<vmem>> -> memref<8x1024xf32, #tpu.memory_space<vmem>>
    %dma_wait3A_352 = arith.constant 0 : i32
    %dma_wait3A_353 = tpu.memref_slice %arg4[%mul3A_2, %dma_wait3A_352] : memref<32768x1024xf32, #tpu.memory_space<hbm>> -> memref<8x1024xf32, #tpu.memory_space<hbm>>
    %dma_wait3A_354 = arith.constant 0 : i32
    %dma_wait3A_355 = tpu.memref_slice %arg4[%mul3A_2, %dma_wait3A_354] : memref<32768x1024xf32, #tpu.memory_space<hbm>> -> memref<8x1024xf32, #tpu.memory_space<hbm>>
    %dma_wait3A_356 = arith.constant 0 : i32
    %dma_wait3A_357 = arith.constant 0 : i32
    %dma_wait3A_358 = tpu.memref_slice %arg6[%dma_wait3A_347, %dma_wait3A_356, %dma_wait3A_357] : memref<8x8x1024xf32, #tpu.memory_space<vmem>> -> memref<1x8x1024xf32, #tpu.memory_space<vmem>>
    %dma_wait3A_359 = tpu.memref_squeeze %dma_wait3A_358 : memref<1x8x1024xf32, #tpu.memory_space<vmem>> -> memref<8x1024xf32, #tpu.memory_space<vmem>>
    tpu.wait_dma2 semaphore(%arg16 : memref<!tpu.dma_semaphore, #tpu.memory_space<semaphore_mem>>) src(%dma_wait3A_359 : memref<8x1024xf32, #tpu.memory_space<vmem>>) dst(%dma_wait3A_355 : memref<8x1024xf32, #tpu.memory_space<hbm>>)
    %dma_wait3A_360 = arith.constant 2 : i32
    %dma_wait3A_361 = arith.constant 0 : i32
    %dma_wait3A_362 = arith.constant 0 : i32
    %dma_wait3A_363 = tpu.memref_slice %arg6[%dma_wait3A_360, %dma_wait3A_361, %dma_wait3A_362] : memref<8x8x1024xf32, #tpu.memory_space<vmem>> -> memref<1x8x1024xf32, #tpu.memory_space<vmem>>
    %dma_wait3A_364 = tpu.memref_squeeze %dma_wait3A_363 : memref<1x8x1024xf32, #tpu.memory_space<vmem>> -> memref<8x1024xf32, #tpu.memory_space<vmem>>
    %dma_wait3A_365 = arith.constant 0 : i32
    %dma_wait3A_366 = tpu.memref_slice %arg4[%mul3A_2, %dma_wait3A_365] : memref<32768x1024xf32, #tpu.memory_space<hbm>> -> memref<8x1024xf32, #tpu.memory_space<hbm>>
    %dma_wait3A_367 = arith.constant 0 : i32
    %dma_wait3A_368 = tpu.memref_slice %arg4[%mul3A_2, %dma_wait3A_367] : memref<32768x1024xf32, #tpu.memory_space<hbm>> -> memref<8x1024xf32, #tpu.memory_space<hbm>>
    %dma_wait3A_369 = arith.constant 0 : i32
    %dma_wait3A_370 = arith.constant 0 : i32
    %dma_wait3A_371 = tpu.memref_slice %arg6[%dma_wait3A_360, %dma_wait3A_369, %dma_wait3A_370] : memref<8x8x1024xf32, #tpu.memory_space<vmem>> -> memref<1x8x1024xf32, #tpu.memory_space<vmem>>
    %dma_wait3A_372 = tpu.memref_squeeze %dma_wait3A_371 : memref<1x8x1024xf32, #tpu.memory_space<vmem>> -> memref<8x1024xf32, #tpu.memory_space<vmem>>
    tpu.wait_dma2 semaphore(%arg17 : memref<!tpu.dma_semaphore, #tpu.memory_space<semaphore_mem>>) src(%dma_wait3A_372 : memref<8x1024xf32, #tpu.memory_space<vmem>>) dst(%dma_wait3A_368 : memref<8x1024xf32, #tpu.memory_space<hbm>>)
    %dma_wait3A_373 = arith.constant 3 : i32
    %dma_wait3A_374 = arith.constant 0 : i32
    %dma_wait3A_375 = arith.constant 0 : i32
    %dma_wait3A_376 = tpu.memref_slice %arg6[%dma_wait3A_373, %dma_wait3A_374, %dma_wait3A_375] : memref<8x8x1024xf32, #tpu.memory_space<vmem>> -> memref<1x8x1024xf32, #tpu.memory_space<vmem>>
    %dma_wait3A_377 = tpu.memref_squeeze %dma_wait3A_376 : memref<1x8x1024xf32, #tpu.memory_space<vmem>> -> memref<8x1024xf32, #tpu.memory_space<vmem>>
    %dma_wait3A_378 = arith.constant 0 : i32
    %dma_wait3A_379 = tpu.memref_slice %arg4[%mul3A_2, %dma_wait3A_378] : memref<32768x1024xf32, #tpu.memory_space<hbm>> -> memref<8x1024xf32, #tpu.memory_space<hbm>>
    %dma_wait3A_380 = arith.constant 0 : i32
    %dma_wait3A_381 = tpu.memref_slice %arg4[%mul3A_2, %dma_wait3A_380] : memref<32768x1024xf32, #tpu.memory_space<hbm>> -> memref<8x1024xf32, #tpu.memory_space<hbm>>
    %dma_wait3A_382 = arith.constant 0 : i32
    %dma_wait3A_383 = arith.constant 0 : i32
    %dma_wait3A_384 = tpu.memref_slice %arg6[%dma_wait3A_373, %dma_wait3A_382, %dma_wait3A_383] : memref<8x8x1024xf32, #tpu.memory_space<vmem>> -> memref<1x8x1024xf32, #tpu.memory_space<vmem>>
    %dma_wait3A_385 = tpu.memref_squeeze %dma_wait3A_384 : memref<1x8x1024xf32, #tpu.memory_space<vmem>> -> memref<8x1024xf32, #tpu.memory_space<vmem>>
    tpu.wait_dma2 semaphore(%arg18 : memref<!tpu.dma_semaphore, #tpu.memory_space<semaphore_mem>>) src(%dma_wait3A_385 : memref<8x1024xf32, #tpu.memory_space<vmem>>) dst(%dma_wait3A_381 : memref<8x1024xf32, #tpu.memory_space<hbm>>)
    %dma_wait3A_386 = arith.constant 4 : i32
    %dma_wait3A_387 = arith.constant 0 : i32
    %dma_wait3A_388 = arith.constant 0 : i32
    %dma_wait3A_389 = tpu.memref_slice %arg6[%dma_wait3A_386, %dma_wait3A_387, %dma_wait3A_388] : memref<8x8x1024xf32, #tpu.memory_space<vmem>> -> memref<1x8x1024xf32, #tpu.memory_space<vmem>>
    %dma_wait3A_390 = tpu.memref_squeeze %dma_wait3A_389 : memref<1x8x1024xf32, #tpu.memory_space<vmem>> -> memref<8x1024xf32, #tpu.memory_space<vmem>>
    %dma_wait3A_391 = arith.constant 0 : i32
    %dma_wait3A_392 = tpu.memref_slice %arg4[%mul3A_2, %dma_wait3A_391] : memref<32768x1024xf32, #tpu.memory_space<hbm>> -> memref<8x1024xf32, #tpu.memory_space<hbm>>
    %dma_wait3A_393 = arith.constant 0 : i32
    %dma_wait3A_394 = tpu.memref_slice %arg4[%mul3A_2, %dma_wait3A_393] : memref<32768x1024xf32, #tpu.memory_space<hbm>> -> memref<8x1024xf32, #tpu.memory_space<hbm>>
    %dma_wait3A_395 = arith.constant 0 : i32
    %dma_wait3A_396 = arith.constant 0 : i32
    %dma_wait3A_397 = tpu.memref_slice %arg6[%dma_wait3A_386, %dma_wait3A_395, %dma_wait3A_396] : memref<8x8x1024xf32, #tpu.memory_space<vmem>> -> memref<1x8x1024xf32, #tpu.memory_space<vmem>>
    %dma_wait3A_398 = tpu.memref_squeeze %dma_wait3A_397 : memref<1x8x1024xf32, #tpu.memory_space<vmem>> -> memref<8x1024xf32, #tpu.memory_space<vmem>>
    tpu.wait_dma2 semaphore(%arg19 : memref<!tpu.dma_semaphore, #tpu.memory_space<semaphore_mem>>) src(%dma_wait3A_398 : memref<8x1024xf32, #tpu.memory_space<vmem>>) dst(%dma_wait3A_394 : memref<8x1024xf32, #tpu.memory_space<hbm>>)
    %dma_wait3A_399 = arith.constant 5 : i32
    %dma_wait3A_400 = arith.constant 0 : i32
    %dma_wait3A_401 = arith.constant 0 : i32
    %dma_wait3A_402 = tpu.memref_slice %arg6[%dma_wait3A_399, %dma_wait3A_400, %dma_wait3A_401] : memref<8x8x1024xf32, #tpu.memory_space<vmem>> -> memref<1x8x1024xf32, #tpu.memory_space<vmem>>
    %dma_wait3A_403 = tpu.memref_squeeze %dma_wait3A_402 : memref<1x8x1024xf32, #tpu.memory_space<vmem>> -> memref<8x1024xf32, #tpu.memory_space<vmem>>
    %dma_wait3A_404 = arith.constant 0 : i32
    %dma_wait3A_405 = tpu.memref_slice %arg4[%mul3A_2, %dma_wait3A_404] : memref<32768x1024xf32, #tpu.memory_space<hbm>> -> memref<8x1024xf32, #tpu.memory_space<hbm>>
    %dma_wait3A_406 = arith.constant 0 : i32
    %dma_wait3A_407 = tpu.memref_slice %arg4[%mul3A_2, %dma_wait3A_406] : memref<32768x1024xf32, #tpu.memory_space<hbm>> -> memref<8x1024xf32, #tpu.memory_space<hbm>>
    %dma_wait3A_408 = arith.constant 0 : i32
    %dma_wait3A_409 = arith.constant 0 : i32
    %dma_wait3A_410 = tpu.memref_slice %arg6[%dma_wait3A_399, %dma_wait3A_408, %dma_wait3A_409] : memref<8x8x1024xf32, #tpu.memory_space<vmem>> -> memref<1x8x1024xf32, #tpu.memory_space<vmem>>
    %dma_wait3A_411 = tpu.memref_squeeze %dma_wait3A_410 : memref<1x8x1024xf32, #tpu.memory_space<vmem>> -> memref<8x1024xf32, #tpu.memory_space<vmem>>
    tpu.wait_dma2 semaphore(%arg20 : memref<!tpu.dma_semaphore, #tpu.memory_space<semaphore_mem>>) src(%dma_wait3A_411 : memref<8x1024xf32, #tpu.memory_space<vmem>>) dst(%dma_wait3A_407 : memref<8x1024xf32, #tpu.memory_space<hbm>>)
    %dma_wait3A_412 = arith.constant 6 : i32
    %dma_wait3A_413 = arith.constant 0 : i32
    %dma_wait3A_414 = arith.constant 0 : i32
    %dma_wait3A_415 = tpu.memref_slice %arg6[%dma_wait3A_412, %dma_wait3A_413, %dma_wait3A_414] : memref<8x8x1024xf32, #tpu.memory_space<vmem>> -> memref<1x8x1024xf32, #tpu.memory_space<vmem>>
    %dma_wait3A_416 = tpu.memref_squeeze %dma_wait3A_415 : memref<1x8x1024xf32, #tpu.memory_space<vmem>> -> memref<8x1024xf32, #tpu.memory_space<vmem>>
    %dma_wait3A_417 = arith.constant 0 : i32
    %dma_wait3A_418 = tpu.memref_slice %arg4[%mul3A_2, %dma_wait3A_417] : memref<32768x1024xf32, #tpu.memory_space<hbm>> -> memref<8x1024xf32, #tpu.memory_space<hbm>>
    %dma_wait3A_419 = arith.constant 0 : i32
    %dma_wait3A_420 = tpu.memref_slice %arg4[%mul3A_2, %dma_wait3A_419] : memref<32768x1024xf32, #tpu.memory_space<hbm>> -> memref<8x1024xf32, #tpu.memory_space<hbm>>
    %dma_wait3A_421 = arith.constant 0 : i32
    %dma_wait3A_422 = arith.constant 0 : i32
    %dma_wait3A_423 = tpu.memref_slice %arg6[%dma_wait3A_412, %dma_wait3A_421, %dma_wait3A_422] : memref<8x8x1024xf32, #tpu.memory_space<vmem>> -> memref<1x8x1024xf32, #tpu.memory_space<vmem>>
    %dma_wait3A_424 = tpu.memref_squeeze %dma_wait3A_423 : memref<1x8x1024xf32, #tpu.memory_space<vmem>> -> memref<8x1024xf32, #tpu.memory_space<vmem>>
    tpu.wait_dma2 semaphore(%arg21 : memref<!tpu.dma_semaphore, #tpu.memory_space<semaphore_mem>>) src(%dma_wait3A_424 : memref<8x1024xf32, #tpu.memory_space<vmem>>) dst(%dma_wait3A_420 : memref<8x1024xf32, #tpu.memory_space<hbm>>)
    %dma_wait3A_425 = arith.constant 7 : i32
    %dma_wait3A_426 = arith.constant 0 : i32
    %dma_wait3A_427 = arith.constant 0 : i32
    %dma_wait3A_428 = tpu.memref_slice %arg6[%dma_wait3A_425, %dma_wait3A_426, %dma_wait3A_427] : memref<8x8x1024xf32, #tpu.memory_space<vmem>> -> memref<1x8x1024xf32, #tpu.memory_space<vmem>>
    %dma_wait3A_429 = tpu.memref_squeeze %dma_wait3A_428 : memref<1x8x1024xf32, #tpu.memory_space<vmem>> -> memref<8x1024xf32, #tpu.memory_space<vmem>>
    %dma_wait3A_430 = arith.constant 0 : i32
    %dma_wait3A_431 = tpu.memref_slice %arg4[%mul3A_2, %dma_wait3A_430] : memref<32768x1024xf32, #tpu.memory_space<hbm>> -> memref<8x1024xf32, #tpu.memory_space<hbm>>
    %dma_wait3A_432 = arith.constant 0 : i32
    %dma_wait3A_433 = tpu.memref_slice %arg4[%mul3A_2, %dma_wait3A_432] : memref<32768x1024xf32, #tpu.memory_space<hbm>> -> memref<8x1024xf32, #tpu.memory_space<hbm>>
    %dma_wait3A_434 = arith.constant 0 : i32
    %dma_wait3A_435 = arith.constant 0 : i32
    %dma_wait3A_436 = tpu.memref_slice %arg6[%dma_wait3A_425, %dma_wait3A_434, %dma_wait3A_435] : memref<8x8x1024xf32, #tpu.memory_space<vmem>> -> memref<1x8x1024xf32, #tpu.memory_space<vmem>>
    %dma_wait3A_437 = tpu.memref_squeeze %dma_wait3A_436 : memref<1x8x1024xf32, #tpu.memory_space<vmem>> -> memref<8x1024xf32, #tpu.memory_space<vmem>>
    tpu.wait_dma2 semaphore(%arg22 : memref<!tpu.dma_semaphore, #tpu.memory_space<semaphore_mem>>) src(%dma_wait3A_437 : memref<8x1024xf32, #tpu.memory_space<vmem>>) dst(%dma_wait3A_433 : memref<8x1024xf32, #tpu.memory_space<hbm>>)
    return
  }
}

</mosaic_0001>

<sc_bundles>
// kernel: _sc_gather.3.cloned.1.call-start
scs
__scs_entry_jumppad:
0x0: {  	(pc) =	sbr.rel $0x88, $3  }
0x1: {  	(tag) =	ssettag $0x0;
	lr =	simm.s32 $0x1  }
0x2: {  	[smem:$0x3F9F] =	sst lr;
	_ =	strace $0xD0000000  }
0x3: {  	_ = 	snop  }
0x4: {  	_ = 	snop  }
0x5: {  	_ = 	snop  }
0x6: {  	_ = 	snop  }
0x7: {  	_ = 	snop  }
__scs_overlays_trampoline_lowered:
0x8: {  	[smem:$0x3FAE] =	sst s0  }
0x9: {  	[smem:$0x3FAF] =	sst s1  }
0xa: {  	[smem:$0x3FB0] =	sst s2  }
0xb: {  	[smem:$0x3FB1] =	sst s3  }
0xc: {  	[smem:$0x3FB2] =	sst s4  }
0xd: {  	[smem:$0x3FB3] =	sst s5  }
0xe: {  	[smem:$0x3FB4] =	sst s6  }
0xf: {  	[smem:$0x3FB5] =	sst s7  }
0x10: {  	[smem:$0x3FB6] =	sst s8  }
0x11: {  	[smem:$0x3FB7] =	sst s9;
	s0 =	simm.s32 @!p0 $0x0  }
0x12: {  	s1 =	sld [smem:$0x3F9D];
	s0 =	simm.s32 @p0 $0x1  }
0x13: {  	[smem:$0x3FB8] =	sst s0;
	s0 =	simm.s32 @!p1 $0x0  }
0x14: {  	s2 =	sld [smem:$0x3F9C];
	s0 =	simm.s32 @p1 $0x1  }
0x15: {  	[smem:$0x3FB9] =	sst s0;
	s0 =	simm.s32 @!p2 $0x0  }
0x16: {  	s3 =	sld [smem:$0x3FDB];
	s0 =	simm.s32 @p2 $0x1  }
0x17: {  	s4 =	simm.s32 $0x1BF5;
	[smem:$0x3FBB] =	sst s0  }
0x18: {  	s0 =	sld [smem:$0x3F9E];
	_ =	swait.ge [sflag:s4], $0x0  }
0x19: {  	s7 =	sld [smem:$0x3F9F]  }
0x1a: {  	s8 =	sadd.s32 $0xFFFFE003, lr  }
0x1b: {  	s9 =	sadd.s32 $0xFFFFFEF7, lr;
	s5 =	simm.s32 $0xFFFFFFFF;
	p2 =	slt.u32 s8, $0xFFFFF086  }
0x1c: {  	p1 =	slt.u32 s9, $0xF7A;
	s5 =	simm.s32 @!p2 $0x0  }
0x1d: {  	s5 =	simm.s32 @p1 $0x1;
	p0 =	seq.s32 s7, s2  }
0x1e: {  	s7 =	smul.u32 @!p0 $0xF7A, s2;
	p2 =	seq.s32 @!p0 s5, $0x0  }
0x1f: {  	s9 =	smul.u32 $0xF7A, s1;
	s8 =	simm.s32 @!p0 $0x1BF5;
	p2 =	por !p2, p0  }
0x20: {  	[sflag:s8] =	ssyncset.s32 @!p0 $0xFFFFF086;
	s6 =	sadd.s32 @!p0 s3, s7;
	s7 =	simm.s32 @!p0 $0x108  }
0x21: {  	s3 =	sadd.s32 s3, s9;
	s6 =	sadd.s32 @!p0 $0x88, s6;
	s7 =	simm.s32 @p2 $0x1082  }
0x22: {  	[simem:s7], [sflag:s8] =	dma.local @!p0 [hbm:s6], $0xF7A  }
0x23: {  	s9 =	sor.u32 $0xD0000000, s2;
	s6 =	simm.s32 $0x108;
	_ =	swait.ge @!p0 [sflag:s8], $0x0  }
0x24: {  	s3 =	sadd.s32 $0x88, s3;
	s6 =	simm.s32 @!p1 $0x1082;
	[sflag:s4] =	ssyncset.s32 $0xFFFFF086  }
0x25: {  	[simem:s6], [sflag:s4] =	dma.local [hbm:s3], $0xF7A  }
0x26: {  	[smem:$0x3F9F] =	sst s1;
	(tag) =	ssettag s2;
	_ =	strace s9  }
0x27: {  	s1 =	sld [smem:$0x3FAF]  }
0x28: {  	s2 =	sld [smem:$0x3FB0]  }
0x29: {  	s4 =	sld [smem:$0x3FB2]  }
0x2a: {  	p0 =	seq.s32 s5, $0x0;
	s5 =	sld [smem:$0x3FB3]  }
0x2b: {  	s6 =	sld [smem:$0x3FB4]  }
0x2c: {  	s7 =	sld [smem:$0x3FB5]  }
0x2d: {  	s3 =	simm.s32 $0x108;
	s8 =	sld [smem:$0x3FB6]  }
0x2e: {  	s3 =	simm.s32 @!p0 $0x1082;
	s9 =	sld [smem:$0x3FB7]  }
0x2f: {  	lr =	sadd.s32 s0, s3;
	s0 =	sld [smem:$0x3FAE]  }
0x30: {  	s3 =	sld [smem:$0x3FB1]  }
0x31: {  	[smem:$0x3FBA] =	sst s10  }
0x32: {  	s10 =	sld [smem:$0x3FB8];
	_ =	sdelay $0x3  }
0x33: {  	p0 =	seq.s32 s10, $0x1;
	s10 =	sld [smem:$0x3FBA];
	_ =	sdelay $0x3  }
0x34: {  	[smem:$0x3FBA] =	sst s10  }
0x35: {  	s10 =	sld [smem:$0x3FB9];
	_ =	sdelay $0x3  }
0x36: {  	p1 =	seq.s32 s10, $0x1;
	s10 =	sld [smem:$0x3FBA];
	_ =	sdelay $0x3  }
0x37: {  	[smem:$0x3FBA] =	sst s10  }
0x38: {  	s10 =	sld [smem:$0x3FBB]  }
0x39: {  	_ = 	snop;
	(pc) =	sbr.ind lr, $3  }
0x3a: {  	_ = 	snop  }
0x3b: {  	_ = 	snop  }
0x3c: {  	p2 =	seq.s32 s10, $0x1;
	s10 =	sld [smem:$0x3FBA]  }
0x3d: {  	_ =	shalt  }
0x3e: {  	_ =	shalt  }
0x3f: {  	_ =	shalt  }
0x40: {  	_ =	shalt  }
0x41: {  	_ =	shalt  }
0x42: {  	_ =	shalt  }
0x43: {  	_ =	shalt  }
0x44: {  	_ =	shalt  }
0x45: {  	_ =	shalt  }
0x46: {  	_ =	shalt  }
0x47: {  	_ =	shalt  }
0x48: {  	_ =	shalt  }
0x49: {  	_ =	shalt  }
0x4a: {  	_ =	shalt  }
0x4b: {  	_ =	shalt  }
0x4c: {  	_ =	shalt  }
0x4d: {  	_ =	shalt  }
0x4e: {  	_ =	shalt  }
0x4f: {  	_ =	shalt  }
0x50: {  	_ =	shalt  }
0x51: {  	_ =	shalt  }
0x52: {  	_ =	shalt  }
0x53: {  	_ =	shalt  }
0x54: {  	_ =	shalt  }
0x55: {  	_ =	shalt  }
0x56: {  	_ =	shalt  }
0x57: {  	_ =	shalt  }
0x58: {  	_ =	shalt  }
0x59: {  	_ =	shalt  }
0x5a: {  	_ =	shalt  }
0x5b: {  	_ =	shalt  }
0x5c: {  	_ =	shalt  }
0x5d: {  	_ =	shalt  }
0x5e: {  	_ =	shalt  }
0x5f: {  	_ =	shalt  }
0x60: {  	_ =	shalt  }
0x61: {  	_ =	shalt  }
0x62: {  	_ =	shalt  }
0x63: {  	_ =	shalt  }
0x64: {  	_ =	shalt  }
0x65: {  	_ =	shalt  }
0x66: {  	_ =	shalt  }
0x67: {  	_ =	shalt  }
0x68: {  	_ =	shalt  }
0x69: {  	_ =	shalt  }
0x6a: {  	_ =	shalt  }
0x6b: {  	_ =	shalt  }
0x6c: {  	_ =	shalt  }
0x6d: {  	_ =	shalt  }
0x6e: {  	_ =	shalt  }
0x6f: {  	_ =	shalt  }
0x70: {  	_ =	shalt  }
0x71: {  	_ =	shalt  }
0x72: {  	_ =	shalt  }
0x73: {  	_ =	shalt  }
0x74: {  	_ =	shalt  }
0x75: {  	_ =	shalt  }
0x76: {  	_ =	shalt  }
0x77: {  	_ =	shalt  }
0x78: {  	_ =	shalt  }
0x79: {  	_ =	shalt  }
0x7a: {  	_ =	shalt  }
0x7b: {  	_ =	shalt  }
0x7c: {  	_ =	shalt  }
0x7d: {  	_ =	shalt  }
0x7e: {  	_ =	shalt  }
0x7f: {  	_ =	shalt  }
0x80: {  	_ =	shalt  }
0x81: {  	_ =	shalt  }
0x82: {  	_ =	shalt  }
0x83: {  	_ =	shalt  }
0x84: {  	_ =	shalt  }
0x85: {  	_ =	shalt  }
0x86: {  	_ =	shalt  }
0x87: {  	_ =	shalt  }
.Lfunc_end0:
.L_simem_size_0:
called_computation_lowered:
.L_overlay_start_0:
0x88: {  	s2 =	sld [smem:$0x3FD9]  }
0x89: {  	s3 =	sld [smem:$0x3FFE];
	_ =	sdelay $0x1  }
0x8a: {  	s1 =	srdreg.scid  }
0x8b: {  	s0 =	sand.u32 $0x1, s1  }
0x8c: {  	s18 =	sshll.u32 s0, $0xA;
	s2 =	sadd.s32 s3, s2  }
0x8d: {  	s2 =	sadd.s32 s2, s18  }
0x8e: {  	[smem:$0x3FC6] =	sst s2  }
0x8f: {  	_ = 	snop  }
0x90: {  	s2 =	sld [smem:$0x3FC9]  }
0x91: {  	s19 =	sld [smem:$0x3FC8]  }
0x92: {  	s4 =	sld [smem:$0x3FD0];
	(tm) =	ssettm $0x1  }
0x93: {  	s5 =	sld [smem:$0x3FFB];
	_ =	sdelay $0x3  }
0x94: {  	_ =	strace s5  }
0x95: {  	s5 =	sld [smem:$0x3FFC];
	_ =	sdelay $0x3  }
0x96: {  	_ =	strace s5  }
0x97: {  	s5 =	sld [smem:$0x3FFD];
	_ =	sdelay $0x3  }
0x98: {  	_ =	strace s5  }
0x99: {  	_ =	strace $0x8FFFFFFF  }
0x9a: {  	s20 =	sld [smem:$0x3FDB];
	_ =	sdelay $0x1  }
0x9b: {  	s6 =	simm.s32 $_scs_section_size  }
0x9c: {  	s7 =	simm.s32 $_size__tile_overlayer_lowered;
	s8 =	simm.s32 $_tile_overlayer_lowered  }
0x9d: {  	s23 =	simm.s32 $0x1BFF;
	s22 =	sshll.u32 s8, $0x1;
	s5 =	sadd.s32 s6, s20  }
0x9e: {  	s9 =	simm.s32 $0x0;
	s21 =	sshll.u32 s7, $0x1;
	s7 =	sadd.s32 s22, s5  }
0x9f: {  	[timem:s9], [sflag:s23] =	dma.local [hbm:s7], s21  }
0xa0: {  	_ =	swait.ge [sflag:s23], s21  }
0xa1: {  	s6 =	ssub.s32 $0x0, s21;
	[sflag:s23] =	ssyncset.done $0x0  }
0xa2: {  	[sflag:s23] =	ssyncadd.s32 s6;
	_ =	sdelay $0x1  }
0xa3: {  	s24 =	simm.s32 $0x1B8B  }
0xa4: {  	_ =	swait.ge [sflag:s24], $0x1  }
0xa5: {  	[sflag:s24] =	ssyncset.done $0x0  }
0xa6: {  	s25 =	simm.s32 $0x1B8E;
	[sflag:s24] =	ssyncadd.s32 $0xFFFFFFFF  }
0xa7: {  	s26 =	simm.s32 $execute0_lowered;
	[smem:$0x3FD2] =	sst s25  }
0xa8: {  	s6 =	sshll.u32 s26, $0x1;
	_ =	strace $0x80000046;
	[dreg:$0x1] =	wrdreg $0xFFFFFFFF  }
0xa9: {  	s28 =	simm.s32 $_size_execute0_lowered;
	s5 =	sadd.s32 s5, s6;
	[dreg:$0x0] =	wrdreg $0x0  }
0xaa: {  	s6 =	sshll.u32 s28, $0x1;
	[dreg:$0x2] =	wrdreg s5  }
0xab: {  	[dreg:$0x3] =	wrdreg s6  }
0xac: {  	[dreg:$0x4] =	wrdreg $0xC0  }
0xad: {  	_ =	task [dreg:s9], $0x5FFFF  }
0xae: {  	[dreg:$0x1] =	wrdreg $0xFFFFFFFF  }
0xaf: {  	[dreg:$0x0] =	wrdreg $0x60  }
0xb0: {  	[dreg:$0x2] =	wrdreg s2  }
0xb1: {  	[dreg:$0x3] =	wrdreg s19  }
0xb2: {  	[dreg:$0x4] =	wrdreg s4  }
0xb3: {  	[dreg:$0x5] =	wrdreg $0x9  }
0xb4: {  	_ =	task.clear_ibuf [dreg:s9], $0x6FFFF;
	_ =	strace $0x90000046  }
0xb5: {  	s29 =	simm.s32 $0x9;
	_ =	strace $0x80000048  }
0xb6: {  	_ =	swait.ge [sflag:s29], $0x1  }
0xb7: {  	[sflag:s29] =	ssyncadd.s32 $0xFFFFFFFF  }
0xb8: {  	_ =	strace $0x90000048  }
0xb9: {  	_ =	sfence  }
0xba: {  	s30 =	sld [smem:$0x0];
	_ =	sdelay $0x2  }
0xbb: {  	s31 =	sshll.u32 s1, $0xD;
	s1 =	sshrl.u32 s1, $0x2  }
0xbc: {  	s3 =	sand.u32 $0x4000, s31;
	s1 =	sadd.s32 s1, s30  }
0xbd: {  	s0 =	sor.u32 s3, s0;
	s1 =	sshll.u32 s1, $0x11  }
0xbe: {  	s0 =	sor.u32 s1, s0  }
0xbf: {  	s0 =	sadd.s32 $0x8F2B, s0  }
0xc0: {  	[sflag:s0] =	ssyncadd.remote.s32 $0x1  }
0xc1: {  	_ =	sfence.sel $0xFFFF  }
0xc2: {  	[dreg:$0x0] =	wrdreg $0xFFFFFFFF;
	(pc) =	sbr.abs _section_cstart, $3  }
0xc3: {  	[dreg:$0x1] =	wrdreg $0xFFFFFFFF  }
0xc4: {  	_ =	task.clear_ibuf [dreg:s9], $0x2FFFF;
	_ =	strace $0x9FFFFFFF  }
0xc5: {  	(tm) =	ssettm $0x7FFFFFFF  }
tec
execute0_lowered:
.L_overlay_start_1:
0x0: {  	(tag) =	ssettag $0x1  }
0x1: {  	s0 =	rddreg [dreg:$0x0]  }
0x2: {  	s1 =	rddreg [dreg:$0x1]  }
0x3: {  	s2 =	rddreg [dreg:$0x2];
	s4 =	srdreg.scid  }
0x4: {  	s3 =	simm.s32 $0x0;
	s9 =	stileid.u32;
	s15 =	simm.s32 $0x1C00  }
0x5: {  	s30 =	simm.s32 $0x2C00;
	s14 =	simm.s32 $0x3400;
	s28 =	simm.s32 $0x8C00  }
0x6: {  	s31 =	simm.s32 $0xA400;
	s12 =	simm.s32 $0xCC00;
	s11 =	simm.s32 $0xFC00  }
0x7: {  	s29 =	simm.s32 $0xE;
	s13 =	simm.s32 $0x6;
	s4 =	sand.u32 $0x1, s4  }
0x8: {  	s6 =	sshll.u32 s9, $0xB;
	[smem:$0x7FF] =	sst s3;
	s22 =	sshll.u32 s9, $0x12  }
0x9: {  	s9 =	simm.s32 $0xC400;
	s5 =	ssub.s32 $0x2, s4;
	s7 =	sshll.u32 s4, $0xA  }
0xa: {  	_ =	strace $0x80000047;
	s24 =	sshll.u32 s4, $0x11;
	s6 =	sor.u32 s7, s6  }
0xb: {  	s4 =	simm.s32 $0xEC00;
	s8 =	sshrl.u32 s5, $0x1;
	s16 =	sshrl.u32 s6, $0x3  }
0xc: {  	s7 =	sadd.s32 $0x300, s1;
	s17 =	sshll.u32 s6, $0x7;
	s0 =	sadd.s32 s0, s16  }
0xd: {  	s8 =	ssub.s32 s5, s8;
	s10 =	sadd.s32 s2, s17;
	[dreg:$0x5] =	wrdreg s0  }
0xe: {  	s5 =	sadd.s32 $0x100, s1;
	s26 =	smax.u32 s8, $0x1;
	[dreg:$0x6] =	wrdreg s10  }
0xf: {  	s6 =	sadd.s32 $0x200, s1;
	s0 =	sadd.s32 $0x400, s10;
	[dreg:$0xe] =	wrdreg s26  }
0x10: {  	s8 =	simm.s32 $0x0;
	s18 =	sadd.s32 $0x800, s10;
	[dreg:$0x7] =	wrdreg s0  }
0x11: {  	s16 =	simm.s32 $0xA;
	s19 =	sadd.s32 $0xC00, s10;
	[dreg:$0x8] =	wrdreg s18  }
0x12: {  	s17 =	simm.s32 $0xB;
	s20 =	sadd.s32 $0x1F000, s10;
	[dreg:$0x9] =	wrdreg s19  }
0x13: {  	s21 =	sadd.s32 $0x1F400, s10;
	s23 =	sadd.s32 $0x1F800, s10;
	[dreg:$0xa] =	wrdreg s20  }
0x14: {  	s25 =	sadd.s32 $0x1FC00, s10;
	s10 =	simm.s32 $0x1400;
	[dreg:$0xb] =	wrdreg s21  }
0x15: {  	s26 =	simm.s32 $0x2400;
	[dreg:$0xc] =	wrdreg s23;
	s0 =	sadd.s32 s22, s2  }
0x16: {  	[dreg:$0xd] =	wrdreg s25;
	s25 =	simm.s32 $0x400;
	s22 =	simm.s32 $0xC00  }
0x17: {  	v0 =	vlaneseq.u32;
	s20 =	simm.s32 $0x8400;
	s19 =	simm.s32 $0x3;
	s2 =	simm.s32 $0xDC00  }
0x18: {  	v1 =	vshrl.u32 v0, $0x3;
	s18 =	simm.s32 $0xE400;
	s21 =	simm.s32 $0x8;
	s0 =	sadd.s32 s24, s0  }
0x19: {  	vm0 =	vmmov $0xffff;
	v0 =	vand.u32 $0x7, v0;
	v1 =	vmul.u32 $0x8, v1;
	s23 =	simm.s32 $0xC;
	s24 =	simm.s32 $0xD;
	[dreg:$0x4] =	wrdreg s0  }
.LBB2_1:
0x1a: {  	[dreg:$0xf] =	wrdreg s8  }
0x1b: {  	s0 =	rddreg [dreg:$0x5];
	s8 =	simm.s32 $0x11  }
0x1c: {  	[tilespmem:s3], [sflag:$0x11] =	stream.linear.gather [hbm4b:s0+s3], $0x400, $0x38;
	[tilespmem:$0x10400] =	vst v63  }
0x1d: {  	_ =	swait.ge [sflag:s8], $0x400  }
0x1e: {  	[sflag:s8] =	ssyncset.done $0x0  }
0x1f: {  	[sflag:s8] =	ssyncadd.s32 $0xFFFFFC00  }
0x20: {  	v2 =	vld.msk [tilespmem:$0x0], $0xff;
	_ =	sdelay $0x4  }
0x21: {  	v3 =	vshll.u32 v2, $0x3  }
0x22: {  	v2 =	vand.u32 $0x7, v2;
	v3 =	vand.u32 $0xFFFFFFC0, v3  }
0x23: {  	v2 =	vor.u32 v2, v3  }
0x24: {  	v2 =	vperm.xlane v2, v0;
	_ =	sdelay $0x1  }
0x25: {  	v2 =	vadd.s32 v1, v2;
	_ =	sdelay $0x4  }
0x26: {  	[tilespmem:s25], [sflag:$0x1] =	stream.indirect_vreg.gather [hbm4b:s1+s3], $0x80, v2, vm0, $0xb8;
	[tilespmem:$0x10400] =	vst v63  }
0x27: {  	_ = 	snop  }
0x28: {  	[tilespmem:s22], [sflag:$0x1] =	stream.indirect_vreg.gather [hbm4b:s5+s3], $0x80, v2, vm0, $0xb8;
	[tilespmem:$0x10400] =	vst v63  }
0x29: {  	_ = 	snop  }
0x2a: {  	[tilespmem:s10], [sflag:$0x1] =	stream.indirect_vreg.gather [hbm4b:s6+s3], $0x80, v2, vm0, $0xb8;
	[tilespmem:$0x10400] =	vst v63  }
0x2b: {  	_ = 	snop  }
0x2c: {  	[tilespmem:s15], [sflag:$0x1] =	stream.indirect_vreg.gather [hbm4b:s7+s3], $0x80, v2, vm0, $0xb8;
	[tilespmem:$0x10400] =	vst v63  }
0x2d: {  	v2 =	vld.msk [tilespmem:$0x8], $0xff;
	_ =	sdelay $0x4  }
0x2e: {  	v3 =	vshll.u32 v2, $0x3  }
0x2f: {  	v2 =	vand.u32 $0x7, v2;
	v3 =	vand.u32 $0xFFFFFFC0, v3  }
0x30: {  	v2 =	vor.u32 v2, v3  }
0x31: {  	v2 =	vperm.xlane v2, v0;
	_ =	sdelay $0x1  }
0x32: {  	v2 =	vadd.s32 v1, v2;
	_ =	sdelay $0x4  }
0x33: {  	[tilespmem:s26], [sflag:$0x2] =	stream.indirect_vreg.gather [hbm4b:s1+s3], $0x80, v2, vm0, $0xb8;
	[tilespmem:$0x10400] =	vst v63  }
0x34: {  	_ = 	snop  }
0x35: {  	[tilespmem:s30], [sflag:$0x2] =	stream.indirect_vreg.gather [hbm4b:s5+s3], $0x80, v2, vm0, $0xb8;
	[tilespmem:$0x10400] =	vst v63  }
0x36: {  	_ = 	snop  }
0x37: {  	[tilespmem:s14], [sflag:$0x2] =	stream.indirect_vreg.gather [hbm4b:s6+s3], $0x80, v2, vm0, $0xb8;
	[tilespmem:$0x10400] =	vst v63  }
0x38: {  	s14 =	simm.s32 $0x3C00  }
0x39: {  	[tilespmem:s14], [sflag:$0x2] =	stream.indirect_vreg.gather [hbm4b:s7+s3], $0x80, v2, vm0, $0xb8;
	[tilespmem:$0x10400] =	vst v63  }
0x3a: {  	v2 =	vld.msk [tilespmem:$0x10], $0xff;
	_ =	sdelay $0x4  }
0x3b: {  	v3 =	vshll.u32 v2, $0x3  }
0x3c: {  	v2 =	vand.u32 $0x7, v2;
	v3 =	vand.u32 $0xFFFFFFC0, v3  }
0x3d: {  	v2 =	vor.u32 v2, v3  }
0x3e: {  	v2 =	vperm.xlane v2, v0;
	_ =	sdelay $0x1  }
0x3f: {  	v2 =	vadd.s32 v1, v2;
	_ =	sdelay $0x3  }
0x40: {  	s8 =	simm.s32 $0x4400  }
0x41: {  	[tilespmem:s8], [sflag:$0x3] =	stream.indirect_vreg.gather [hbm4b:s1+s3], $0x80, v2, vm0, $0xb8;
	[tilespmem:$0x10400] =	vst v63  }
0x42: {  	s15 =	simm.s32 $0x4C00  }
0x43: {  	[tilespmem:s15], [sflag:$0x3] =	stream.indirect_vreg.gather [hbm4b:s5+s3], $0x80, v2, vm0, $0xb8;
	[tilespmem:$0x10400] =	vst v63  }
0x44: {  	s22 =	simm.s32 $0x5400  }
0x45: {  	[tilespmem:s22], [sflag:$0x3] =	stream.indirect_vreg.gather [hbm4b:s6+s3], $0x80, v2, vm0, $0xb8;
	[tilespmem:$0x10400] =	vst v63  }
0x46: {  	s10 =	simm.s32 $0x5C00  }
0x47: {  	[tilespmem:s10], [sflag:$0x3] =	stream.indirect_vreg.gather [hbm4b:s7+s3], $0x80, v2, vm0, $0xb8;
	[tilespmem:$0x10400] =	vst v63  }
0x48: {  	v2 =	vld.msk [tilespmem:$0x18], $0xff;
	_ =	sdelay $0x4  }
0x49: {  	v3 =	vshll.u32 v2, $0x3  }
0x4a: {  	v2 =	vand.u32 $0x7, v2;
	v3 =	vand.u32 $0xFFFFFFC0, v3  }
0x4b: {  	v2 =	vor.u32 v2, v3  }
0x4c: {  	v2 =	vperm.xlane v2, v0;
	_ =	sdelay $0x1  }
0x4d: {  	v2 =	vadd.s32 v1, v2;
	_ =	sdelay $0x3  }
0x4e: {  	s10 =	simm.s32 $0x6400  }
0x4f: {  	[tilespmem:s10], [sflag:$0x4] =	stream.indirect_vreg.gather [hbm4b:s1+s3], $0x80, v2, vm0, $0xb8;
	[tilespmem:$0x10400] =	vst v63  }
0x50: {  	s14 =	simm.s32 $0x6C00  }
0x51: {  	[tilespmem:s14], [sflag:$0x4] =	stream.indirect_vreg.gather [hbm4b:s5+s3], $0x80, v2, vm0, $0xb8;
	[tilespmem:$0x10400] =	vst v63  }
0x52: {  	s15 =	simm.s32 $0x7400  }
0x53: {  	[tilespmem:s15], [sflag:$0x4] =	stream.indirect_vreg.gather [hbm4b:s6+s3], $0x80, v2, vm0, $0xb8;
	[tilespmem:$0x10400] =	vst v63  }
0x54: {  	s22 =	simm.s32 $0x7C00;
	s14 =	simm.s32 $0x1  }
0x55: {  	[tilespmem:s22], [sflag:$0x4] =	stream.indirect_vreg.gather [hbm4b:s7+s3], $0x80, v2, vm0, $0xb8;
	[tilespmem:$0x10400] =	vst v63  }
0x56: {  	_ =	swait.ge [sflag:s14], $0x2000  }
0x57: {  	[sflag:s14] =	ssyncset.done $0x0  }
0x58: {  	s15 =	rddreg [dreg:$0x6];
	[sflag:s14] =	ssyncadd.s32 $0xFFFFE000  }
0x59: {  	[hbm4b:s15+s3] =	stream.linear.scatter [tilespmem:s25], [sflag:$0x9], $0x2000, $0x38;
	[tilespmem:$0x10400] =	vst v63  }
0x5a: {  	v2 =	vld.msk [tilespmem:$0x20], $0xff;
	_ =	sdelay $0x4  }
0x5b: {  	v3 =	vshll.u32 v2, $0x3  }
0x5c: {  	v2 =	vand.u32 $0x7, v2;
	v3 =	vand.u32 $0xFFFFFFC0, v3  }
0x5d: {  	v2 =	vor.u32 v2, v3  }
0x5e: {  	v2 =	vperm.xlane v2, v0;
	_ =	sdelay $0x1  }
0x5f: {  	v2 =	vadd.s32 v1, v2;
	_ =	sdelay $0x4  }
0x60: {  	[tilespmem:s20], [sflag:$0x5] =	stream.indirect_vreg.gather [hbm4b:s1+s3], $0x80, v2, vm0, $0xb8;
	[tilespmem:$0x10400] =	vst v63  }
0x61: {  	_ = 	snop  }
0x62: {  	[tilespmem:s28], [sflag:$0x5] =	stream.indirect_vreg.gather [hbm4b:s5+s3], $0x80, v2, vm0, $0xb8;
	[tilespmem:$0x10400] =	vst v63  }
0x63: {  	s22 =	simm.s32 $0x9400  }
0x64: {  	[tilespmem:s22], [sflag:$0x5] =	stream.indirect_vreg.gather [hbm4b:s6+s3], $0x80, v2, vm0, $0xb8;
	[tilespmem:$0x10400] =	vst v63  }
0x65: {  	s25 =	simm.s32 $0x9C00;
	s28 =	simm.s32 $0x2  }
0x66: {  	[tilespmem:s25], [sflag:$0x5] =	stream.indirect_vreg.gather [hbm4b:s7+s3], $0x80, v2, vm0, $0xb8;
	[tilespmem:$0x10400] =	vst v63  }
0x67: {  	_ =	swait.ge [sflag:s28], $0x2000  }
0x68: {  	[sflag:s28] =	ssyncset.done $0x0  }
0x69: {  	s14 =	rddreg [dreg:$0x7];
	[sflag:s28] =	ssyncadd.s32 $0xFFFFE000  }
0x6a: {  	[hbm4b:s14+s3] =	stream.linear.scatter [tilespmem:s26], [sflag:$0xA], $0x2000, $0x38;
	[tilespmem:$0x10400] =	vst v63  }
0x6b: {  	v2 =	vld.msk [tilespmem:$0x28], $0xff;
	_ =	sdelay $0x4  }
0x6c: {  	v3 =	vshll.u32 v2, $0x3  }
0x6d: {  	v2 =	vand.u32 $0x7, v2;
	v3 =	vand.u32 $0xFFFFFFC0, v3  }
0x6e: {  	v2 =	vor.u32 v2, v3  }
0x6f: {  	v2 =	vperm.xlane v2, v0;
	_ =	sdelay $0x1  }
0x70: {  	v2 =	vadd.s32 v1, v2;
	_ =	sdelay $0x4  }
0x71: {  	[tilespmem:s31], [sflag:$0x6] =	stream.indirect_vreg.gather [hbm4b:s1+s3], $0x80, v2, vm0, $0xb8;
	[tilespmem:$0x10400] =	vst v63  }
0x72: {  	s15 =	simm.s32 $0xAC00  }
0x73: {  	[tilespmem:s15], [sflag:$0x6] =	stream.indirect_vreg.gather [hbm4b:s5+s3], $0x80, v2, vm0, $0xb8;
	[tilespmem:$0x10400] =	vst v63  }
0x74: {  	s20 =	simm.s32 $0xB400  }
0x75: {  	[tilespmem:s20], [sflag:$0x6] =	stream.indirect_vreg.gather [hbm4b:s6+s3], $0x80, v2, vm0, $0xb8;
	[tilespmem:$0x10400] =	vst v63  }
0x76: {  	s22 =	simm.s32 $0xBC00  }
0x77: {  	[tilespmem:s22], [sflag:$0x6] =	stream.indirect_vreg.gather [hbm4b:s7+s3], $0x80, v2, vm0, $0xb8;
	[tilespmem:$0x10400] =	vst v63  }
0x78: {  	_ =	swait.ge [sflag:s19], $0x2000  }
0x79: {  	[sflag:s19] =	ssyncset.done $0x0  }
0x7a: {  	s25 =	rddreg [dreg:$0x8];
	[sflag:s19] =	ssyncadd.s32 $0xFFFFE000  }
0x7b: {  	[hbm4b:s25+s3] =	stream.linear.scatter [tilespmem:s8], [sflag:$0xB], $0x2000, $0x38;
	[tilespmem:$0x10400] =	vst v63  }
0x7c: {  	v2 =	vld.msk [tilespmem:$0x30], $0xff;
	_ =	sdelay $0x4  }
0x7d: {  	v3 =	vshll.u32 v2, $0x3  }
0x7e: {  	v2 =	vand.u32 $0x7, v2;
	v3 =	vand.u32 $0xFFFFFFC0, v3  }
0x7f: {  	v2 =	vor.u32 v2, v3  }
0x80: {  	v2 =	vperm.xlane v2, v0;
	_ =	sdelay $0x1  }
0x81: {  	v2 =	vadd.s32 v1, v2;
	_ =	sdelay $0x4  }
0x82: {  	[tilespmem:s9], [sflag:$0x7] =	stream.indirect_vreg.gather [hbm4b:s1+s3], $0x80, v2, vm0, $0xb8;
	[tilespmem:$0x10400] =	vst v63  }
0x83: {  	_ = 	snop  }
0x84: {  	[tilespmem:s12], [sflag:$0x7] =	stream.indirect_vreg.gather [hbm4b:s5+s3], $0x80, v2, vm0, $0xb8;
	[tilespmem:$0x10400] =	vst v63  }
0x85: {  	s26 =	simm.s32 $0xD400  }
0x86: {  	[tilespmem:s26], [sflag:$0x7] =	stream.indirect_vreg.gather [hbm4b:s6+s3], $0x80, v2, vm0, $0xb8;
	[tilespmem:$0x10400] =	vst v63  }
0x87: {  	_ = 	snop  }
0x88: {  	[tilespmem:s2], [sflag:$0x7] =	stream.indirect_vreg.gather [hbm4b:s7+s3], $0x80, v2, vm0, $0xb8;
	[tilespmem:$0x10400] =	vst v63  }
0x89: {  	s2 =	simm.s32 $0x4  }
0x8a: {  	_ =	swait.ge [sflag:s2], $0x2000  }
0x8b: {  	[sflag:s2] =	ssyncset.done $0x0  }
0x8c: {  	s28 =	rddreg [dreg:$0x9];
	[sflag:s2] =	ssyncadd.s32 $0xFFFFE000  }
0x8d: {  	[hbm4b:s28+s3] =	stream.linear.scatter [tilespmem:s10], [sflag:$0xC], $0x2000, $0x38;
	[tilespmem:$0x10400] =	vst v63  }
0x8e: {  	v2 =	vld.msk [tilespmem:$0x38], $0xff;
	_ =	sdelay $0x4  }
0x8f: {  	v3 =	vshll.u32 v2, $0x3  }
0x90: {  	v2 =	vand.u32 $0x7, v2;
	v3 =	vand.u32 $0xFFFFFFC0, v3  }
0x91: {  	v2 =	vor.u32 v2, v3  }
0x92: {  	v2 =	vperm.xlane v2, v0;
	_ =	sdelay $0x1  }
0x93: {  	v2 =	vadd.s32 v1, v2;
	_ =	sdelay $0x4  }
0x94: {  	[tilespmem:s18], [sflag:$0x8] =	stream.indirect_vreg.gather [hbm4b:s1+s3], $0x80, v2, vm0, $0xb8;
	[tilespmem:$0x10400] =	vst v63  }
0x95: {  	_ = 	snop  }
0x96: {  	[tilespmem:s4], [sflag:$0x8] =	stream.indirect_vreg.gather [hbm4b:s5+s3], $0x80, v2, vm0, $0xb8;
	[tilespmem:$0x10400] =	vst v63  }
0x97: {  	s0 =	simm.s32 $0x0;
	s31 =	simm.s32 $0xF400  }
0x98: {  	[tilespmem:s31], [sflag:$0x8] =	stream.indirect_vreg.gather [hbm4b:s6+s3], $0x80, v2, vm0, $0xb8;
	[tilespmem:$0x10400] =	vst v63  }
0x99: {  	s30 =	simm.s32 $0x78;
	s25 =	simm.s32 $0x3;
	s8 =	simm.s32 $0x7  }
0x9a: {  	[tilespmem:s11], [sflag:$0x8] =	stream.indirect_vreg.gather [hbm4b:s7+s3], $0x80, v2, vm0, $0xb8;
	[tilespmem:$0x10400] =	vst v63  }
0x9b: {  	s12 =	simm.s32 $0x9;
	s26 =	simm.s32 $0xF;
	s11 =	simm.s32 $0x5  }
.LBB2_2:
0x9c: {  	_ =	swait.ge [sflag:s11], $0x2000  }
0x9d: {  	s18 =	rddreg [dreg:$0x4]  }
0x9e: {  	[sflag:s11] =	ssyncset.done $0x0;
	s18 =	sadd.s32 s0, s18  }
0x9f: {  	s28 =	simm.s32 $0x8400;
	[sflag:s11] =	ssyncadd.s32 $0xFFFFE000;
	s22 =	sadd.s32 $0x1000, s18  }
0xa0: {  	[hbm4b:s22+s3] =	stream.linear.scatter [tilespmem:s28], [sflag:$0xD], $0x2000, $0x38;
	[tilespmem:$0x10400] =	vst v63  }
0xa1: {  	_ =	swait.ge [sflag:s12], $0x2000  }
0xa2: {  	[sflag:s12] =	ssyncset.done $0x0  }
0xa3: {  	[sflag:s12] =	ssyncadd.s32 $0xFFFFE000  }
0xa4: {  	v2 =	vld.msk [tilespmem:s30+$0xFFFFFFC8], $0xff;
	_ =	sdelay $0x4  }
0xa5: {  	v3 =	vshll.u32 v2, $0x3  }
0xa6: {  	v2 =	vand.u32 $0x7, v2;
	v3 =	vand.u32 $0xFFFFFFC0, v3  }
0xa7: {  	v2 =	vor.u32 v2, v3  }
0xa8: {  	v2 =	vperm.xlane v2, v0;
	_ =	sdelay $0x1  }
0xa9: {  	v2 =	vadd.s32 v1, v2;
	_ =	sdelay $0x3  }
0xaa: {  	s10 =	simm.s32 $0x400  }
0xab: {  	[tilespmem:s10], [sflag:$0x1] =	stream.indirect_vreg.gather [hbm4b:s1+s3], $0x80, v2, vm0, $0xb8;
	[tilespmem:$0x10400] =	vst v63  }
0xac: {  	s4 =	simm.s32 $0xC00  }
0xad: {  	[tilespmem:s4], [sflag:$0x1] =	stream.indirect_vreg.gather [hbm4b:s5+s3], $0x80, v2, vm0, $0xb8;
	[tilespmem:$0x10400] =	vst v63  }
0xae: {  	s14 =	simm.s32 $0x1400  }
0xaf: {  	[tilespmem:s14], [sflag:$0x1] =	stream.indirect_vreg.gather [hbm4b:s6+s3], $0x80, v2, vm0, $0xb8;
	[tilespmem:$0x10400] =	vst v63  }
0xb0: {  	s15 =	simm.s32 $0x1C00  }
0xb1: {  	[tilespmem:s15], [sflag:$0x1] =	stream.indirect_vreg.gather [hbm4b:s7+s3], $0x80, v2, vm0, $0xb8;
	[tilespmem:$0x10400] =	vst v63  }
0xb2: {  	_ =	swait.ge [sflag:s13], $0x2000  }
0xb3: {  	[sflag:s13] =	ssyncset.done $0x0  }
0xb4: {  	s9 =	simm.s32 $0xA400;
	s19 =	sadd.s32 $0x1400, s18;
	[sflag:s13] =	ssyncadd.s32 $0xFFFFE000  }
0xb5: {  	[hbm4b:s19+s3] =	stream.linear.scatter [tilespmem:s9], [sflag:$0xE], $0x2000, $0x38;
	[tilespmem:$0x10400] =	vst v63  }
0xb6: {  	_ =	swait.ge [sflag:s16], $0x2000  }
0xb7: {  	[sflag:s16] =	ssyncset.done $0x0  }
0xb8: {  	[sflag:s16] =	ssyncadd.s32 $0xFFFFE000  }
0xb9: {  	v2 =	vld.msk [tilespmem:s30+$0xFFFFFFD0], $0xff;
	_ =	sdelay $0x4  }
0xba: {  	v3 =	vshll.u32 v2, $0x3  }
0xbb: {  	v2 =	vand.u32 $0x7, v2;
	v3 =	vand.u32 $0xFFFFFFC0, v3  }
0xbc: {  	v2 =	vor.u32 v2, v3  }
0xbd: {  	v2 =	vperm.xlane v2, v0;
	_ =	sdelay $0x1  }
0xbe: {  	v2 =	vadd.s32 v1, v2;
	_ =	sdelay $0x3  }
0xbf: {  	s31 =	simm.s32 $0x2400  }
0xc0: {  	[tilespmem:s31], [sflag:$0x2] =	stream.indirect_vreg.gather [hbm4b:s1+s3], $0x80, v2, vm0, $0xb8;
	[tilespmem:$0x10400] =	vst v63  }
0xc1: {  	s20 =	simm.s32 $0x2C00  }
0xc2: {  	[tilespmem:s20], [sflag:$0x2] =	stream.indirect_vreg.gather [hbm4b:s5+s3], $0x80, v2, vm0, $0xb8;
	[tilespmem:$0x10400] =	vst v63  }
0xc3: {  	s22 =	simm.s32 $0x3400  }
0xc4: {  	[tilespmem:s22], [sflag:$0x2] =	stream.indirect_vreg.gather [hbm4b:s6+s3], $0x80, v2, vm0, $0xb8;
	[tilespmem:$0x10400] =	vst v63  }
0xc5: {  	s14 =	simm.s32 $0x3C00  }
0xc6: {  	[tilespmem:s14], [sflag:$0x2] =	stream.indirect_vreg.gather [hbm4b:s7+s3], $0x80, v2, vm0, $0xb8;
	[tilespmem:$0x10400] =	vst v63  }
0xc7: {  	_ =	swait.ge [sflag:s8], $0x2000  }
0xc8: {  	[sflag:s8] =	ssyncset.done $0x0  }
0xc9: {  	s15 =	sadd.s32 $0x1800, s18;
	s19 =	simm.s32 $0xC400;
	[sflag:s8] =	ssyncadd.s32 $0xFFFFE000  }
0xca: {  	[hbm4b:s15+s3] =	stream.linear.scatter [tilespmem:s19], [sflag:$0xF], $0x2000, $0x38;
	[tilespmem:$0x10400] =	vst v63  }
0xcb: {  	_ =	swait.ge [sflag:s17], $0x2000  }
0xcc: {  	[sflag:s17] =	ssyncset.done $0x0  }
0xcd: {  	[sflag:s17] =	ssyncadd.s32 $0xFFFFE000  }
0xce: {  	v2 =	vld.msk [tilespmem:s30+$0xFFFFFFD8], $0xff;
	_ =	sdelay $0x4  }
0xcf: {  	v3 =	vshll.u32 v2, $0x3  }
0xd0: {  	v2 =	vand.u32 $0x7, v2;
	v3 =	vand.u32 $0xFFFFFFC0, v3  }
0xd1: {  	v2 =	vor.u32 v2, v3  }
0xd2: {  	v2 =	vperm.xlane v2, v0;
	_ =	sdelay $0x1  }
0xd3: {  	v2 =	vadd.s32 v1, v2;
	_ =	sdelay $0x3  }
0xd4: {  	s14 =	simm.s32 $0x4400  }
0xd5: {  	[tilespmem:s14], [sflag:$0x3] =	stream.indirect_vreg.gather [hbm4b:s1+s3], $0x80, v2, vm0, $0xb8;
	[tilespmem:$0x10400] =	vst v63  }
0xd6: {  	s20 =	simm.s32 $0x4C00  }
0xd7: {  	[tilespmem:s20], [sflag:$0x3] =	stream.indirect_vreg.gather [hbm4b:s5+s3], $0x80, v2, vm0, $0xb8;
	[tilespmem:$0x10400] =	vst v63  }
0xd8: {  	s22 =	simm.s32 $0x5400  }
0xd9: {  	[tilespmem:s22], [sflag:$0x3] =	stream.indirect_vreg.gather [hbm4b:s6+s3], $0x80, v2, vm0, $0xb8;
	[tilespmem:$0x10400] =	vst v63  }
0xda: {  	s15 =	simm.s32 $0x5C00  }
0xdb: {  	[tilespmem:s15], [sflag:$0x3] =	stream.indirect_vreg.gather [hbm4b:s7+s3], $0x80, v2, vm0, $0xb8;
	[tilespmem:$0x10400] =	vst v63  }
0xdc: {  	_ =	swait.ge [sflag:s21], $0x2000  }
0xdd: {  	[sflag:s21] =	ssyncset.done $0x0  }
0xde: {  	s4 =	simm.s32 $0xE400;
	s20 =	sadd.s32 $0x1C00, s18;
	[sflag:s21] =	ssyncadd.s32 $0xFFFFE000  }
0xdf: {  	[hbm4b:s20+s3] =	stream.linear.scatter [tilespmem:s4], [sflag:$0x10], $0x2000, $0x38;
	[tilespmem:$0x10400] =	vst v63  }
0xe0: {  	_ =	swait.ge [sflag:s23], $0x2000  }
0xe1: {  	[sflag:s23] =	ssyncset.done $0x0  }
0xe2: {  	[sflag:s23] =	ssyncadd.s32 $0xFFFFE000  }
0xe3: {  	v2 =	vld.msk [tilespmem:s30+$0xFFFFFFE0], $0xff;
	_ =	sdelay $0x4  }
0xe4: {  	v3 =	vshll.u32 v2, $0x3  }
0xe5: {  	v2 =	vand.u32 $0x7, v2;
	v3 =	vand.u32 $0xFFFFFFC0, v3  }
0xe6: {  	v2 =	vor.u32 v2, v3  }
0xe7: {  	v2 =	vperm.xlane v2, v0;
	_ =	sdelay $0x1  }
0xe8: {  	v2 =	vadd.s32 v1, v2;
	_ =	sdelay $0x3  }
0xe9: {  	s15 =	simm.s32 $0x6400  }
0xea: {  	[tilespmem:s15], [sflag:$0x4] =	stream.indirect_vreg.gather [hbm4b:s1+s3], $0x80, v2, vm0, $0xb8;
	[tilespmem:$0x10400] =	vst v63  }
0xeb: {  	s20 =	simm.s32 $0x6C00  }
0xec: {  	[tilespmem:s20], [sflag:$0x4] =	stream.indirect_vreg.gather [hbm4b:s5+s3], $0x80, v2, vm0, $0xb8;
	[tilespmem:$0x10400] =	vst v63  }
0xed: {  	s22 =	simm.s32 $0x7400  }
0xee: {  	[tilespmem:s22], [sflag:$0x4] =	stream.indirect_vreg.gather [hbm4b:s6+s3], $0x80, v2, vm0, $0xb8;
	[tilespmem:$0x10400] =	vst v63  }
0xef: {  	s22 =	simm.s32 $0x7C00  }
0xf0: {  	[tilespmem:s22], [sflag:$0x4] =	stream.indirect_vreg.gather [hbm4b:s7+s3], $0x80, v2, vm0, $0xb8;
	[tilespmem:$0x10400] =	vst v63  }
0xf1: {  	s22 =	simm.s32 $0x1  }
0xf2: {  	_ =	swait.ge [sflag:s22], $0x2000  }
0xf3: {  	[sflag:s22] =	ssyncset.done $0x0  }
0xf4: {  	s20 =	sadd.s32 $0x2000, s18;
	[sflag:s22] =	ssyncadd.s32 $0xFFFFE000  }
0xf5: {  	[hbm4b:s20+s3] =	stream.linear.scatter [tilespmem:s10], [sflag:$0x9], $0x2000, $0x38;
	[tilespmem:$0x10400] =	vst v63  }
0xf6: {  	_ =	swait.ge [sflag:s24], $0x2000  }
0xf7: {  	[sflag:s24] =	ssyncset.done $0x0  }
0xf8: {  	[sflag:s24] =	ssyncadd.s32 $0xFFFFE000  }
0xf9: {  	v2 =	vld.msk [tilespmem:s30+$0xFFFFFFE8], $0xff;
	_ =	sdelay $0x4  }
0xfa: {  	v3 =	vshll.u32 v2, $0x3  }
0xfb: {  	v2 =	vand.u32 $0x7, v2;
	v3 =	vand.u32 $0xFFFFFFC0, v3  }
0xfc: {  	v2 =	vor.u32 v2, v3  }
0xfd: {  	v2 =	vperm.xlane v2, v0;
	_ =	sdelay $0x1  }
0xfe: {  	v2 =	vadd.s32 v1, v2;
	_ =	sdelay $0x4  }
0xff: {  	[tilespmem:s28], [sflag:$0x5] =	stream.indirect_vreg.gather [hbm4b:s1+s3], $0x80, v2, vm0, $0xb8;
	[tilespmem:$0x10400] =	vst v63  }
0x100: {  	s28 =	simm.s32 $0x8C00  }
0x101: {  	[tilespmem:s28], [sflag:$0x5] =	stream.indirect_vreg.gather [hbm4b:s5+s3], $0x80, v2, vm0, $0xb8;
	[tilespmem:$0x10400] =	vst v63  }
0x102: {  	s10 =	simm.s32 $0x9400  }
0x103: {  	[tilespmem:s10], [sflag:$0x5] =	stream.indirect_vreg.gather [hbm4b:s6+s3], $0x80, v2, vm0, $0xb8;
	[tilespmem:$0x10400] =	vst v63  }
0x104: {  	s10 =	simm.s32 $0x9C00  }
0x105: {  	[tilespmem:s10], [sflag:$0x5] =	stream.indirect_vreg.gather [hbm4b:s7+s3], $0x80, v2, vm0, $0xb8;
	[tilespmem:$0x10400] =	vst v63  }
0x106: {  	s10 =	simm.s32 $0x2  }
0x107: {  	_ =	swait.ge [sflag:s10], $0x2000  }
0x108: {  	[sflag:s10] =	ssyncset.done $0x0  }
0x109: {  	[sflag:s10] =	ssyncadd.s32 $0xFFFFE000;
	s10 =	sadd.s32 $0x2400, s18  }
0x10a: {  	[hbm4b:s10+s3] =	stream.linear.scatter [tilespmem:s31], [sflag:$0xA], $0x2000, $0x38;
	[tilespmem:$0x10400] =	vst v63  }
0x10b: {  	_ =	swait.ge [sflag:s29], $0x2000  }
0x10c: {  	[sflag:s29] =	ssyncset.done $0x0  }
0x10d: {  	[sflag:s29] =	ssyncadd.s32 $0xFFFFE000  }
0x10e: {  	v2 =	vld.msk [tilespmem:s30+$0xFFFFFFF0], $0xff;
	_ =	sdelay $0x4  }
0x10f: {  	v3 =	vshll.u32 v2, $0x3  }
0x110: {  	v2 =	vand.u32 $0x7, v2;
	v3 =	vand.u32 $0xFFFFFFC0, v3  }
0x111: {  	v2 =	vor.u32 v2, v3  }
0x112: {  	v2 =	vperm.xlane v2, v0;
	_ =	sdelay $0x1  }
0x113: {  	v2 =	vadd.s32 v1, v2;
	_ =	sdelay $0x4  }
0x114: {  	[tilespmem:s9], [sflag:$0x6] =	stream.indirect_vreg.gather [hbm4b:s1+s3], $0x80, v2, vm0, $0xb8;
	[tilespmem:$0x10400] =	vst v63  }
0x115: {  	s22 =	simm.s32 $0xAC00  }
0x116: {  	[tilespmem:s22], [sflag:$0x6] =	stream.indirect_vreg.gather [hbm4b:s5+s3], $0x80, v2, vm0, $0xb8;
	[tilespmem:$0x10400] =	vst v63  }
0x117: {  	s10 =	simm.s32 $0xB400  }
0x118: {  	[tilespmem:s10], [sflag:$0x6] =	stream.indirect_vreg.gather [hbm4b:s6+s3], $0x80, v2, vm0, $0xb8;
	[tilespmem:$0x10400] =	vst v63  }
0x119: {  	s22 =	simm.s32 $0xBC00  }
0x11a: {  	[tilespmem:s22], [sflag:$0x6] =	stream.indirect_vreg.gather [hbm4b:s7+s3], $0x80, v2, vm0, $0xb8;
	[tilespmem:$0x10400] =	vst v63  }
0x11b: {  	_ =	swait.ge [sflag:s25], $0x2000  }
0x11c: {  	[sflag:s25] =	ssyncset.done $0x0  }
0x11d: {  	s10 =	sadd.s32 $0x2800, s18;
	[sflag:s25] =	ssyncadd.s32 $0xFFFFE000  }
0x11e: {  	[hbm4b:s10+s3] =	stream.linear.scatter [tilespmem:s14], [sflag:$0xB], $0x2000, $0x38;
	[tilespmem:$0x10400] =	vst v63  }
0x11f: {  	_ =	swait.ge [sflag:s26], $0x2000  }
0x120: {  	[sflag:s26] =	ssyncset.done $0x0  }
0x121: {  	[sflag:s26] =	ssyncadd.s32 $0xFFFFE000  }
0x122: {  	v2 =	vld.msk [tilespmem:s30+$0xFFFFFFF8], $0xff;
	_ =	sdelay $0x4  }
0x123: {  	v3 =	vshll.u32 v2, $0x3  }
0x124: {  	v2 =	vand.u32 $0x7, v2;
	v3 =	vand.u32 $0xFFFFFFC0, v3  }
0x125: {  	v2 =	vor.u32 v2, v3  }
0x126: {  	v2 =	vperm.xlane v2, v0;
	_ =	sdelay $0x1  }
0x127: {  	v2 =	vadd.s32 v1, v2;
	_ =	sdelay $0x4  }
0x128: {  	[tilespmem:s19], [sflag:$0x7] =	stream.indirect_vreg.gather [hbm4b:s1+s3], $0x80, v2, vm0, $0xb8;
	[tilespmem:$0x10400] =	vst v63  }
0x129: {  	s19 =	simm.s32 $0xCC00  }
0x12a: {  	[tilespmem:s19], [sflag:$0x7] =	stream.indirect_vreg.gather [hbm4b:s5+s3], $0x80, v2, vm0, $0xb8;
	[tilespmem:$0x10400] =	vst v63  }
0x12b: {  	s22 =	simm.s32 $0xD400  }
0x12c: {  	[tilespmem:s22], [sflag:$0x7] =	stream.indirect_vreg.gather [hbm4b:s6+s3], $0x80, v2, vm0, $0xb8;
	[tilespmem:$0x10400] =	vst v63  }
0x12d: {  	s10 =	simm.s32 $0xDC00  }
0x12e: {  	[tilespmem:s10], [sflag:$0x7] =	stream.indirect_vreg.gather [hbm4b:s7+s3], $0x80, v2, vm0, $0xb8;
	[tilespmem:$0x10400] =	vst v63  }
0x12f: {  	_ =	swait.ge [sflag:s2], $0x2000  }
0x130: {  	[sflag:s2] =	ssyncset.done $0x0  }
0x131: {  	s18 =	sadd.s32 $0x2C00, s18;
	[sflag:s2] =	ssyncadd.s32 $0xFFFFE000  }
0x132: {  	[hbm4b:s18+s3] =	stream.linear.scatter [tilespmem:s15], [sflag:$0xC], $0x2000, $0x38;
	[tilespmem:$0x10400] =	vst v63  }
0x133: {  	s18 =	simm.s32 $0x10  }
0x134: {  	_ =	swait.ge [sflag:s18], $0x2000  }
0x135: {  	[sflag:s18] =	ssyncset.done $0x0  }
0x136: {  	[sflag:s18] =	ssyncadd.s32 $0xFFFFE000  }
0x137: {  	v2 =	vld.msk [tilespmem:s30+$0x0], $0xff;
	_ =	sdelay $0x4  }
0x138: {  	v3 =	vshll.u32 v2, $0x3  }
0x139: {  	v2 =	vand.u32 $0x7, v2;
	v3 =	vand.u32 $0xFFFFFFC0, v3  }
0x13a: {  	v2 =	vor.u32 v2, v3  }
0x13b: {  	v2 =	vperm.xlane v2, v0;
	_ =	sdelay $0x1  }
0x13c: {  	v2 =	vadd.s32 v1, v2;
	_ =	sdelay $0x4  }
0x13d: {  	[tilespmem:s4], [sflag:$0x8] =	stream.indirect_vreg.gather [hbm4b:s1+s3], $0x80, v2, vm0, $0xb8;
	[tilespmem:$0x10400] =	vst v63  }
0x13e: {  	p0 =	sne.s32 s0, $0x1C000;
	s4 =	simm.s32 $0xEC00  }
0x13f: {  	[tilespmem:s4], [sflag:$0x8] =	stream.indirect_vreg.gather [hbm4b:s5+s3], $0x80, v2, vm0, $0xb8;
	[tilespmem:$0x10400] =	vst v63  }
.Ltmp0:
0x140: {  	s0 =	sadd.s32 $0x2000, s0;
	s20 =	simm.s32 $0x8400;
	(pc) =	sbr.rel @p0 .LBB2_2-.Ltmp0, $4  }
0x141: {  	s31 =	simm.s32 $0xA400;
	s9 =	simm.s32 $0xC400;
	s19 =	simm.s32 $0xF400  }
0x142: {  	[tilespmem:s19], [sflag:$0x8] =	stream.indirect_vreg.gather [hbm4b:s6+s3], $0x80, v2, vm0, $0xb8;
	[tilespmem:$0x10400] =	vst v63  }
0x143: {  	s22 =	simm.s32 $0xFC00;
	s18 =	simm.s32 $0xE400;
	s30 =	sadd.s32 $0x40, s30  }
0x144: {  	[tilespmem:s22], [sflag:$0x8] =	stream.indirect_vreg.gather [hbm4b:s7+s3], $0x80, v2, vm0, $0xb8;
	[tilespmem:$0x10400] =	vst v63  }
0x145: {  	_ =	swait.ge [sflag:s11], $0x2000  }
0x146: {  	[sflag:s11] =	ssyncset.done $0x0  }
0x147: {  	s0 =	rddreg [dreg:$0xa];
	[sflag:s11] =	ssyncadd.s32 $0xFFFFE000  }
0x148: {  	[hbm4b:s0+s3] =	stream.linear.scatter [tilespmem:s20], [sflag:$0xD], $0x2000, $0x38;
	[tilespmem:$0x10400] =	vst v63  }
0x149: {  	_ =	swait.ge [sflag:s13], $0x2000  }
0x14a: {  	[sflag:s13] =	ssyncset.done $0x0  }
0x14b: {  	s15 =	rddreg [dreg:$0xb];
	[sflag:s13] =	ssyncadd.s32 $0xFFFFE000  }
0x14c: {  	[hbm4b:s15+s3] =	stream.linear.scatter [tilespmem:s31], [sflag:$0xE], $0x2000, $0x38;
	[tilespmem:$0x10400] =	vst v63  }
0x14d: {  	_ =	swait.ge [sflag:s8], $0x2000  }
0x14e: {  	[sflag:s8] =	ssyncset.done $0x0  }
0x14f: {  	s19 =	rddreg [dreg:$0xc];
	[sflag:s8] =	ssyncadd.s32 $0xFFFFE000  }
0x150: {  	[hbm4b:s19+s3] =	stream.linear.scatter [tilespmem:s9], [sflag:$0xF], $0x2000, $0x38;
	[tilespmem:$0x10400] =	vst v63  }
0x151: {  	_ =	swait.ge [sflag:s21], $0x2000  }
0x152: {  	[sflag:s21] =	ssyncset.done $0x0  }
0x153: {  	s22 =	rddreg [dreg:$0xd];
	[sflag:s21] =	ssyncadd.s32 $0xFFFFE000  }
0x154: {  	[hbm4b:s22+s3] =	stream.linear.scatter [tilespmem:s18], [sflag:$0x10], $0x2000, $0x38;
	[tilespmem:$0x10400] =	vst v63  }
0x155: {  	_ =	swait.ge [sflag:s12], $0x2000  }
0x156: {  	[sflag:s12] =	ssyncset.done $0x0  }
0x157: {  	[sflag:s12] =	ssyncadd.s32 $0xFFFFE000  }
0x158: {  	_ =	swait.ge [sflag:s16], $0x2000  }
0x159: {  	[sflag:s16] =	ssyncset.done $0x0  }
0x15a: {  	[sflag:s16] =	ssyncadd.s32 $0xFFFFE000  }
0x15b: {  	_ =	swait.ge [sflag:s17], $0x2000  }
0x15c: {  	[sflag:s17] =	ssyncset.done $0x0  }
0x15d: {  	[sflag:s17] =	ssyncadd.s32 $0xFFFFE000  }
0x15e: {  	_ =	swait.ge [sflag:s23], $0x2000  }
0x15f: {  	[sflag:s23] =	ssyncset.done $0x0  }
0x160: {  	[sflag:s23] =	ssyncadd.s32 $0xFFFFE000  }
0x161: {  	_ =	swait.ge [sflag:s24], $0x2000  }
0x162: {  	[sflag:s24] =	ssyncset.done $0x0  }
0x163: {  	[sflag:s24] =	ssyncadd.s32 $0xFFFFE000  }
0x164: {  	_ =	swait.ge [sflag:s29], $0x2000  }
0x165: {  	[sflag:s29] =	ssyncset.done $0x0  }
0x166: {  	[sflag:s29] =	ssyncadd.s32 $0xFFFFE000  }
0x167: {  	_ =	swait.ge [sflag:s26], $0x2000  }
0x168: {  	[sflag:s26] =	ssyncset.done $0x0  }
0x169: {  	s2 =	simm.s32 $0x10;
	[sflag:s26] =	ssyncadd.s32 $0xFFFFE000  }
0x16a: {  	_ =	swait.ge [sflag:s2], $0x2000  }
0x16b: {  	s25 =	rddreg [dreg:$0xf]  }
0x16c: {  	s26 =	rddreg [dreg:$0xe];
	s8 =	sadd.s32 $0x1, s25  }
0x16d: {  	p0 =	sne.s32 s8, s26  }
.Ltmp1:
0x16e: {  	s10 =	simm.s32 $0x1400;
	(pc) =	sbr.rel @p0 .LBB2_1-.Ltmp1, $4  }
0x16f: {  	s30 =	simm.s32 $0x2C00;
	s14 =	simm.s32 $0x3400;
	s11 =	simm.s32 $0xFC00  }
0x170: {  	s15 =	simm.s32 $0x1C00;
	s19 =	simm.s32 $0x3;
	[sflag:s2] =	ssyncset.done $0x0  }
0x171: {  	s22 =	simm.s32 $0xC00;
	s12 =	simm.s32 $0xCC00;
	[sflag:s2] =	ssyncadd.s32 $0xFFFFE000  }
0x172: {  	s25 =	simm.s32 $0x400;
	s2 =	simm.s32 $0xDC00;
	s26 =	simm.s32 $0x2400  }
0x173: {  	_ =	sfence.sel $0x180000  }
0x174: {  	[bflag:$0x0] =	sbarrier.arrive $0xFFFF  }
0x175: {  	_ =	strace $0x90000047  }
0x176: {  	s0 =	stileid.u32;
	[bflag:$0x2] =	sbarrier.arrive $0xFFFF  }
0x177: {  	p0 =	sne.s32 s0, $0x0;
	s0 =	rddreg [dreg:$0x3]  }
0x178: {  	s0 =	sadd.s32 @!p0 $0x100000, s0  }
0x179: {  	[sflag:s0] =	ssyncadd.tile.s32 @!p0 $0x1;
	_ =	shalt  }
.Lfunc_end2:
_tile_overlayer_lowered:
.L_overlay_start_2:
0x17a: {  	(tag) =	ssettag $0x2  }
0x17b: {  	s0 =	rddreg [dreg:$0x0];
	s2 =	stileid.u32  }
0x17c: {  	s1 =	rddreg [dreg:$0x1];
	p0 =	sne.s32 s2, $0x0  }
0x17d: {  	s3 =	rddreg [dreg:$0x2];
	[bflag:$0x3] =	sbarrier.arrive $0xFFFF;
	s2 =	simm.s32 @!p0 $0x1C11  }
0x17e: {  	[timem:s3], [sflag:s2] =	dma.local @!p0 [hbm:s0], s1  }
0x17f: {  	s0 =	simm.s32 @!p0 $0x11  }
0x180: {  	_ =	swait.ge @!p0 [sflag:s0], s1  }
0x181: {  	s1 =	ssub.s32 @!p0 $0x0, s1;
	[sflag:s0] =	ssyncset.done @!p0 $0x0  }
0x182: {  	[sflag:s0] =	ssyncadd.s32 @!p0 s1  }
0x183: {  	[bflag:$0x3] =	sbarrier.arrive $0xFFFF  }
0x184: {  	_ =	shalt  }

</sc_bundles>
